<compile_context>
chip_gen: v7x
topology: tpu7x:2x2x1
jax: 0.10.2.dev20260603
libtpu: 0.0.44.dev20260713+nightly
codegen_flags: <defaults>
</compile_context>

<pallas_src>
import functools

import jax
import jax.numpy as jnp
from jax import lax
from jax.experimental import pallas as pl
from jax.experimental.pallas import tpu as pltpu
from jax.experimental.pallas import tpu_sc as plsc

N = 10000
NP = 10240
E = 320000
EP = 327680
ER = EP // 128
KE = ER // 32
KC = ER // 16
SROWS = NP // 16
BLK = 640
GRID = NP // BLK

_F32 = jnp.float32


def _sc_mesh():
    return plsc.VectorSubcoreMesh(
        core_axis_name="c", subcore_axis_name="s", num_cores=2, num_subcores=16)


def _make_deg():
    @functools.partial(
        pl.kernel,
        out_type=jax.ShapeDtypeStruct((2, NP, 128), _F32),
        mesh=_sc_mesh(),
        scratch_types=[
            pltpu.VMEM((KE, 128), jnp.int32),
            pltpu.VMEM((128, 128), _F32),
            pltpu.VMEM_SHARED((NP, 128), _F32),
        ],
    )
    def deg_kernel(dsti, zeros, ones, out, dstv, buf, acc):
        c = lax.axis_index("c")
        s = lax.axis_index("s")
        row0 = (c * 16 + s) * KE
        pltpu.sync_copy(zeros, buf)
        for i in range(SROWS // 128):
            pltpu.sync_copy(buf, acc.at[pl.ds(s * SROWS + i * 128, 128)])
        plsc.subcore_barrier()
        pltpu.sync_copy(dsti.at[pl.ds(row0, KE)], dstv)
        pltpu.sync_copy(ones, buf)

        def body(j, carry):
            pltpu.sync_copy(buf, acc.at[dstv.at[j]], add=True)
            return carry

        lax.fori_loop(0, KE, body, 0)
        plsc.subcore_barrier()
        pltpu.sync_copy(acc.at[pl.ds(s * SROWS, SROWS)],
                        out.at[c, pl.ds(s * SROWS, SROWS)])

    return deg_kernel


def _make_agg(K, RB, edge_split):
    assert K % RB == 0 and RB % 2 == 0
    CH = K // RB

    @functools.partial(
        pl.kernel,
        out_type=jax.ShapeDtypeStruct((2, NP, 128), _F32),
        mesh=_sc_mesh(),
        scratch_types=[
            pltpu.VMEM((RB, 128), jnp.int32),
            pltpu.VMEM((RB, 128), jnp.int32),
            pltpu.VMEM((128, 128), _F32),
            pltpu.VMEM((128, 128), _F32),
            pltpu.VMEM_SHARED((NP, 128), _F32),
            pltpu.SemaphoreType.DMA,
            pltpu.SemaphoreType.DMA,
        ],
    )
    def agg_kernel(table, srci, dsti, zeros, out, srcv, dstv, buf0, buf1,
                   acc, gs0, gs1):
        c = lax.axis_index("c")
        s = lax.axis_index("s")
        row0 = (c * 16 + s) * K if edge_split else s * K
        pltpu.sync_copy(zeros, buf0)
        for i in range(SROWS // 128):
            pltpu.sync_copy(buf0, acc.at[pl.ds(s * SROWS + i * 128, 128)])
        plsc.subcore_barrier()

        bufs = (buf0, buf1)
        sems = (gs0, gs1)

        def chunk(ci, carry):
            base = row0 + ci * RB
            if edge_split:
                pltpu.sync_copy(srci.at[pl.ds(base, RB)], srcv)
            else:
                pltpu.sync_copy(srci.at[c, pl.ds(base, RB)], srcv)
            pltpu.sync_copy(dsti.at[pl.ds(base, RB)], dstv)
            pltpu.async_copy(table.at[srcv.at[0]], buf0, gs0)

            def inner(g, carry2):
                for b in (0, 1):
                    j = 2 * g + b
                    nb = 1 - b

                    @pl.when(j + 1 < RB)
                    def _():
                        pltpu.async_copy(table.at[srcv.at[j + 1]], bufs[nb],
                                         sems[nb])

                    pltpu.make_async_copy(table.at[srcv.at[j]], bufs[b],
                                          sems[b]).wait()
                    pltpu.sync_copy(bufs[b], acc.at[dstv.at[j]], add=True)
                return carry2

            lax.fori_loop(0, RB // 2, inner, 0)
            return carry

        lax.fori_loop(0, CH, chunk, 0)
        plsc.subcore_barrier()
        pltpu.sync_copy(acc.at[pl.ds(s * SROWS, SROWS)],
                        out.at[c, pl.ds(s * SROWS, SROWS)])

    return agg_kernel


def _dot(a, b):
    return jnp.dot(a, b, precision=lax.Precision.DEFAULT,
                   preferred_element_type=_F32)


def _tc_prep(degp, x_pad):
    def body(deg_ref, x_ref, dis_ref, u0_ref):
        d = deg_ref[0][:, :1] + deg_ref[1][:, :1] + 1.0
        dis = lax.rsqrt(jnp.maximum(d, 1.0))
        dis_ref[...] = dis
        u0_ref[...] = dis * x_ref[...]

    return pl.pallas_call(
        body,
        grid=(GRID,),
        in_specs=[
            pl.BlockSpec((2, BLK, 128), lambda i: (0, i, 0)),
            pl.BlockSpec((BLK, 128), lambda i: (i, 0)),
        ],
        out_specs=[
            pl.BlockSpec((BLK, 1), lambda i: (i, 0)),
            pl.BlockSpec((BLK, 128), lambda i: (i, 0)),
        ],
        out_shape=[
            jax.ShapeDtypeStruct((NP, 1), _F32),
            jax.ShapeDtypeStruct((NP, 128), _F32),
        ],
    )(degp, x_pad)


def _tc_layer1(acc0, u0, dis, W1, b1):
    def body(acc_ref, u0_ref, dis_ref, w_ref, b_ref, out_ref):
        i = pl.program_id(0)
        dis = dis_ref[...]
        g0 = dis * (acc_ref[0] + acc_ref[1] + u0_ref[...])
        h = jnp.maximum(_dot(g0, w_ref[...]) + b_ref[...], 0.0)
        u1 = dis * h
        rows = i * BLK + lax.broadcasted_iota(jnp.int32, (BLK, 1), 0)
        u1 = jnp.where(rows < N, u1, 0.0)
        out_ref[0] = u1[:, :128]
        out_ref[1] = u1[:, 128:]

    return pl.pallas_call(
        body,
        grid=(GRID,),
        in_specs=[
            pl.BlockSpec((2, BLK, 128), lambda i: (0, i, 0)),
            pl.BlockSpec((BLK, 128), lambda i: (i, 0)),
            pl.BlockSpec((BLK, 1), lambda i: (i, 0)),
            pl.BlockSpec((128, 256), lambda i: (0, 0)),
            pl.BlockSpec((1, 256), lambda i: (0, 0)),
        ],
        out_specs=[pl.BlockSpec((2, BLK, 128), lambda i: (0, i, 0))],
        out_shape=[jax.ShapeDtypeStruct((2, NP, 128), _F32)],
    )(acc0, u0, dis, W1, b1)[0]


def _tc_layer2(acc1, u1cat, dis, W_mu, b_mu, W_ls, b_ls):
    def body(acc_ref, u1_ref, dis_ref, wmu_ref, bmu_ref, wls_ref, bls_ref,
             mu_ref, ls_ref):
        dis = dis_ref[...]
        g1a = dis * (acc_ref[0] + u1_ref[0])
        g1b = dis * (acc_ref[1] + u1_ref[1])
        mu_ref[...] = _dot(g1a, wmu_ref[0]) + _dot(g1b, wmu_ref[1]) + bmu_ref[...]
        ls_ref[...] = _dot(g1a, wls_ref[0]) + _dot(g1b, wls_ref[1]) + bls_ref[...]

    return pl.pallas_call(
        body,
        grid=(GRID,),
        in_specs=[
            pl.BlockSpec((2, BLK, 128), lambda i: (0, i, 0)),
            pl.BlockSpec((2, BLK, 128), lambda i: (0, i, 0)),
            pl.BlockSpec((BLK, 1), lambda i: (i, 0)),
            pl.BlockSpec((2, 128, 128), lambda i: (0, 0, 0)),
            pl.BlockSpec((1, 128), lambda i: (0, 0)),
            pl.BlockSpec((2, 128, 128), lambda i: (0, 0, 0)),
            pl.BlockSpec((1, 128), lambda i: (0, 0)),
        ],
        out_specs=[
            pl.BlockSpec((BLK, 128), lambda i: (i, 0)),
            pl.BlockSpec((BLK, 128), lambda i: (i, 0)),
        ],
        out_shape=[
            jax.ShapeDtypeStruct((NP, 128), _F32),
            jax.ShapeDtypeStruct((NP, 128), _F32),
        ],
    )(acc1, u1cat, dis, W_mu, b_mu, W_ls, b_ls)


def kernel(x, edge_index, W1, b1, W_mu, b_mu, W_logstd, b_logstd):
    ei = edge_index.astype(jnp.int32)
    pad = N + (jnp.arange(EP - E, dtype=jnp.int32) % (NP - N))
    src2d = jnp.concatenate([ei[0], pad]).reshape(ER, 128)
    dst2d = jnp.concatenate([ei[1], pad]).reshape(ER, 128)
    src2d_both = jnp.stack([src2d, src2d + NP])
    x_pad = jnp.pad(x, ((0, NP - N), (0, 0)))
    zeros128 = jnp.zeros((128, 128), _F32)
    ones128 = jnp.ones((128, 128), _F32)

    degp = _make_deg()(dst2d, zeros128, ones128)
    dis, u0 = _tc_prep(degp, x_pad)
    acc0 = _make_agg(KE, 40, True)(u0, src2d, dst2d, zeros128)
    u1cat = _tc_layer1(acc0, u0, dis, W1, b1.reshape(1, -1))
    u1flat = u1cat.reshape(2 * NP, 128)
    acc1 = _make_agg(KC, 40, False)(u1flat, src2d_both, dst2d, zeros128)
    mu, logstd = _tc_layer2(acc1, u1cat, dis,
                            W_mu.reshape(2, 128, 128), b_mu.reshape(1, -1),
                            W_logstd.reshape(2, 128, 128),
                            b_logstd.reshape(1, -1))
    return mu[:N], logstd[:N]

# --- scband reference (transcript-rebuilt; emitter-appended) ---
"""Pipeline reference for scband-gcnencoder-28965259444843 (READ-ONLY COPY).

The authoritative reference and input builder live on the scoring server;
editing this copy changes nothing except your own understanding.
"""

import jax, jax.numpy as jnp
import numpy as np

N_NODES = 10000
IN_CH = 128
OUT_CH = 128
HID = 2 * OUT_CH
N_EDGES = 320000


def _gcn_conv(x, edge_index, W, b, num_nodes):
    # PyG GCNConv: x' = D^{-1/2} (A + I) D^{-1/2} (X W) + b
    xw = x @ W
    src = edge_index[0]
    dst = edge_index[1]
    loop = jnp.arange(num_nodes, dtype=src.dtype)
    src = jnp.concatenate([src, loop])
    dst = jnp.concatenate([dst, loop])
    ones = jnp.ones(src.shape[0], dtype=xw.dtype)
    deg = jax.ops.segment_sum(ones, dst, num_segments=num_nodes)
    deg_inv_sqrt = jnp.where(deg > 0, jax.lax.rsqrt(jnp.maximum(deg, 1e-12)), 0.0)
    norm = deg_inv_sqrt[src] * deg_inv_sqrt[dst]
    msg = xw[src] * norm[:, None]
    out = jax.ops.segment_sum(msg, dst, num_segments=num_nodes)
    return out + b


def setup_inputs(seed: int = 0) -> dict:
    key = jax.random.key(seed)
    k_x, k_e, k1, k2, k3 = jax.random.split(key, 5)
    x = jax.random.normal(k_x, (N_NODES, IN_CH), dtype=jnp.float32)
    edge_index = jax.random.randint(k_e, (2, N_EDGES), 0, N_NODES, dtype=jnp.int64)
    s1 = 1.0 / np.sqrt(IN_CH)
    s2 = 1.0 / np.sqrt(HID)
    W1 = jax.random.uniform(k1, (IN_CH, HID), dtype=jnp.float32, minval=-s1, maxval=s1)
    b1 = jnp.zeros((HID,), dtype=jnp.float32)
    W_mu = jax.random.uniform(k2, (HID, OUT_CH), dtype=jnp.float32, minval=-s2, maxval=s2)
    b_mu = jnp.zeros((OUT_CH,), dtype=jnp.float32)
    W_logstd = jax.random.uniform(k3, (HID, OUT_CH), dtype=jnp.float32, minval=-s2, maxval=s2)
    b_logstd = jnp.zeros((OUT_CH,), dtype=jnp.float32)
    return {"x": x, "edge_index": edge_index, "W1": W1, "b1": b1,
            "W_mu": W_mu, "b_mu": b_mu, "W_logstd": W_logstd, "b_logstd": b_logstd}


def reference(x, edge_index, W1, b1, W_mu, b_mu, W_logstd, b_logstd):
    h = _gcn_conv(x, edge_index, W1, b1, N_NODES)
    h = jax.nn.relu(h)
    mu = _gcn_conv(h, edge_index, W_mu, b_mu, N_NODES)
    logstd = _gcn_conv(h, edge_index, W_logstd, b_logstd, N_NODES)
    return (mu, logstd)

if __name__ == "__main__":
    import jax
    _d = setup_inputs()
    print(jax.jit(kernel)(*tuple(_d.values())))

</pallas_src>

<mosaic_0001>
#map = affine_map<(d0, d1) -> (0, 0)>
#map1 = affine_map<(d0, d1) -> (0, 0, 0)>
module attributes {stable_mosaic.version = 14 : i64} {
  func.func @deg_kernel(%arg0: i32, %arg1: i32, %arg2: memref<2560x128xi32, #tpu.memory_space<hbm>>, %arg3: memref<128x128xf32, #tpu.memory_space<hbm>>, %arg4: memref<128x128xf32, #tpu.memory_space<hbm>>, %arg5: memref<2x10240x128xf32, #tpu.memory_space<hbm>>, %arg6: memref<80x128xi32, #tpu.memory_space<vmem>>, %arg7: memref<128x128xf32, #tpu.memory_space<vmem>>, %arg8: memref<10240x128xf32, #tpu.memory_space<vmem_shared>>) attributes {dimension_semantics = [#tpu.dimension_semantics<core_parallel>, #tpu.dimension_semantics<subcore_parallel>], iteration_bounds = array<i64: 2, 16>, scalar_prefetch = 0 : i64, scratch_operands = 3 : i64, tpu.core_type = #tpu.core_type<sc_vector_subcore>, window_params = [{transform_indices = #map}, {transform_indices = #map}, {transform_indices = #map}, {transform_indices = #map1}]} {
    %mul3A = arith.constant 16 : i32
    %mul3A_0 = arith.muli %arg0, %mul3A : i32
    %add3A = arith.addi %mul3A_0, %arg1 : i32
    %mul3A_1 = arith.constant 80 : i32
    %mul3A_2 = arith.muli %add3A, %mul3A_1 : i32
    "tpu.region"() ({
      %run_scoped3A = tpu.sem_alloc : memref<!tpu.dma_semaphore, #tpu.memory_space<semaphore_mem>>
      tpu.enqueue_dma source(%arg3 : memref<128x128xf32, #tpu.memory_space<hbm>>) target(%arg7 : memref<128x128xf32, #tpu.memory_space<vmem>>) target_semaphore(%run_scoped3A : memref<!tpu.dma_semaphore, #tpu.memory_space<semaphore_mem>>)
      tpu.wait_dma2 semaphore(%run_scoped3A : memref<!tpu.dma_semaphore, #tpu.memory_space<semaphore_mem>>) src(%arg3 : memref<128x128xf32, #tpu.memory_space<hbm>>) dst(%arg7 : memref<128x128xf32, #tpu.memory_space<vmem>>)
      tpu.yield
    }) : () -> ()
    %mul3A_3 = arith.constant 640 : i32
    %mul3A_4 = arith.muli %arg1, %mul3A_3 : i32
    %add3A_5 = arith.constant 0 : i32
    %add3A_6 = arith.addi %mul3A_4, %add3A_5 : i32
    "tpu.region"() ({
      %run_scoped3A = tpu.sem_alloc : memref<!tpu.dma_semaphore, #tpu.memory_space<semaphore_mem>>
      %dma_start3A = arith.constant 0 : i32
      %dma_start3A_33 = tpu.memref_slice %arg8[%add3A_6, %dma_start3A] : memref<10240x128xf32, #tpu.memory_space<vmem_shared>> -> memref<128x128xf32, #tpu.memory_space<vmem_shared>>
      %dma_start3A_34 = arith.constant 0 : i32
      %dma_start3A_35 = tpu.memref_slice %arg8[%add3A_6, %dma_start3A_34] : memref<10240x128xf32, #tpu.memory_space<vmem_shared>> -> memref<128x128xf32, #tpu.memory_space<vmem_shared>>
      tpu.enqueue_dma source(%arg7 : memref<128x128xf32, #tpu.memory_space<vmem>>) target(%dma_start3A_35 : memref<128x128xf32, #tpu.memory_space<vmem_shared>>) target_semaphore(%run_scoped3A : memref<!tpu.dma_semaphore, #tpu.memory_space<semaphore_mem>>)
      %dma_wait3A = arith.constant 0 : i32
      %dma_wait3A_36 = tpu.memref_slice %arg8[%add3A_6, %dma_wait3A] : memref<10240x128xf32, #tpu.memory_space<vmem_shared>> -> memref<128x128xf32, #tpu.memory_space<vmem_shared>>
      %dma_wait3A_37 = arith.constant 0 : i32
      %dma_wait3A_38 = tpu.memref_slice %arg8[%add3A_6, %dma_wait3A_37] : memref<10240x128xf32, #tpu.memory_space<vmem_shared>> -> memref<128x128xf32, #tpu.memory_space<vmem_shared>>
      tpu.wait_dma2 semaphore(%run_scoped3A : memref<!tpu.dma_semaphore, #tpu.memory_space<semaphore_mem>>) src(%arg7 : memref<128x128xf32, #tpu.memory_space<vmem>>) dst(%dma_wait3A_38 : memref<128x128xf32, #tpu.memory_space<vmem_shared>>)
      tpu.yield
    }) : () -> ()
    %mul3A_7 = arith.constant 640 : i32
    %mul3A_8 = arith.muli %arg1, %mul3A_7 : i32
    %add3A_9 = arith.constant 128 : i32
    %add3A_10 = arith.addi %mul3A_8, %add3A_9 : i32
    "tpu.region"() ({
      %run_scoped3A = tpu.sem_alloc : memref<!tpu.dma_semaphore, #tpu.memory_space<semaphore_mem>>
      %dma_start3A = arith.constant 0 : i32
      %dma_start3A_33 = tpu.memref_slice %arg8[%add3A_10, %dma_start3A] : memref<10240x128xf32, #tpu.memory_space<vmem_shared>> -> memref<128x128xf32, #tpu.memory_space<vmem_shared>>
      %dma_start3A_34 = arith.constant 0 : i32
      %dma_start3A_35 = tpu.memref_slice %arg8[%add3A_10, %dma_start3A_34] : memref<10240x128xf32, #tpu.memory_space<vmem_shared>> -> memref<128x128xf32, #tpu.memory_space<vmem_shared>>
      tpu.enqueue_dma source(%arg7 : memref<128x128xf32, #tpu.memory_space<vmem>>) target(%dma_start3A_35 : memref<128x128xf32, #tpu.memory_space<vmem_shared>>) target_semaphore(%run_scoped3A : memref<!tpu.dma_semaphore, #tpu.memory_space<semaphore_mem>>)
      %dma_wait3A = arith.constant 0 : i32
      %dma_wait3A_36 = tpu.memref_slice %arg8[%add3A_10, %dma_wait3A] : memref<10240x128xf32, #tpu.memory_space<vmem_shared>> -> memref<128x128xf32, #tpu.memory_space<vmem_shared>>
      %dma_wait3A_37 = arith.constant 0 : i32
      %dma_wait3A_38 = tpu.memref_slice %arg8[%add3A_10, %dma_wait3A_37] : memref<10240x128xf32, #tpu.memory_space<vmem_shared>> -> memref<128x128xf32, #tpu.memory_space<vmem_shared>>
      tpu.wait_dma2 semaphore(%run_scoped3A : memref<!tpu.dma_semaphore, #tpu.memory_space<semaphore_mem>>) src(%arg7 : memref<128x128xf32, #tpu.memory_space<vmem>>) dst(%dma_wait3A_38 : memref<128x128xf32, #tpu.memory_space<vmem_shared>>)
      tpu.yield
    }) : () -> ()
    %mul3A_11 = arith.constant 640 : i32
    %mul3A_12 = arith.muli %arg1, %mul3A_11 : i32
    %add3A_13 = arith.constant 256 : i32
    %add3A_14 = arith.addi %mul3A_12, %add3A_13 : i32
    "tpu.region"() ({
      %run_scoped3A = tpu.sem_alloc : memref<!tpu.dma_semaphore, #tpu.memory_space<semaphore_mem>>
      %dma_start3A = arith.constant 0 : i32
      %dma_start3A_33 = tpu.memref_slice %arg8[%add3A_14, %dma_start3A] : memref<10240x128xf32, #tpu.memory_space<vmem_shared>> -> memref<128x128xf32, #tpu.memory_space<vmem_shared>>
      %dma_start3A_34 = arith.constant 0 : i32
      %dma_start3A_35 = tpu.memref_slice %arg8[%add3A_14, %dma_start3A_34] : memref<10240x128xf32, #tpu.memory_space<vmem_shared>> -> memref<128x128xf32, #tpu.memory_space<vmem_shared>>
      tpu.enqueue_dma source(%arg7 : memref<128x128xf32, #tpu.memory_space<vmem>>) target(%dma_start3A_35 : memref<128x128xf32, #tpu.memory_space<vmem_shared>>) target_semaphore(%run_scoped3A : memref<!tpu.dma_semaphore, #tpu.memory_space<semaphore_mem>>)
      %dma_wait3A = arith.constant 0 : i32
      %dma_wait3A_36 = tpu.memref_slice %arg8[%add3A_14, %dma_wait3A] : memref<10240x128xf32, #tpu.memory_space<vmem_shared>> -> memref<128x128xf32, #tpu.memory_space<vmem_shared>>
      %dma_wait3A_37 = arith.constant 0 : i32
      %dma_wait3A_38 = tpu.memref_slice %arg8[%add3A_14, %dma_wait3A_37] : memref<10240x128xf32, #tpu.memory_space<vmem_shared>> -> memref<128x128xf32, #tpu.memory_space<vmem_shared>>
      tpu.wait_dma2 semaphore(%run_scoped3A : memref<!tpu.dma_semaphore, #tpu.memory_space<semaphore_mem>>) src(%arg7 : memref<128x128xf32, #tpu.memory_space<vmem>>) dst(%dma_wait3A_38 : memref<128x128xf32, #tpu.memory_space<vmem_shared>>)
      tpu.yield
    }) : () -> ()
    %mul3A_15 = arith.constant 640 : i32
    %mul3A_16 = arith.muli %arg1, %mul3A_15 : i32
    %add3A_17 = arith.constant 384 : i32
    %add3A_18 = arith.addi %mul3A_16, %add3A_17 : i32
    "tpu.region"() ({
      %run_scoped3A = tpu.sem_alloc : memref<!tpu.dma_semaphore, #tpu.memory_space<semaphore_mem>>
      %dma_start3A = arith.constant 0 : i32
      %dma_start3A_33 = tpu.memref_slice %arg8[%add3A_18, %dma_start3A] : memref<10240x128xf32, #tpu.memory_space<vmem_shared>> -> memref<128x128xf32, #tpu.memory_space<vmem_shared>>
      %dma_start3A_34 = arith.constant 0 : i32
      %dma_start3A_35 = tpu.memref_slice %arg8[%add3A_18, %dma_start3A_34] : memref<10240x128xf32, #tpu.memory_space<vmem_shared>> -> memref<128x128xf32, #tpu.memory_space<vmem_shared>>
      tpu.enqueue_dma source(%arg7 : memref<128x128xf32, #tpu.memory_space<vmem>>) target(%dma_start3A_35 : memref<128x128xf32, #tpu.memory_space<vmem_shared>>) target_semaphore(%run_scoped3A : memref<!tpu.dma_semaphore, #tpu.memory_space<semaphore_mem>>)
      %dma_wait3A = arith.constant 0 : i32
      %dma_wait3A_36 = tpu.memref_slice %arg8[%add3A_18, %dma_wait3A] : memref<10240x128xf32, #tpu.memory_space<vmem_shared>> -> memref<128x128xf32, #tpu.memory_space<vmem_shared>>
      %dma_wait3A_37 = arith.constant 0 : i32
      %dma_wait3A_38 = tpu.memref_slice %arg8[%add3A_18, %dma_wait3A_37] : memref<10240x128xf32, #tpu.memory_space<vmem_shared>> -> memref<128x128xf32, #tpu.memory_space<vmem_shared>>
      tpu.wait_dma2 semaphore(%run_scoped3A : memref<!tpu.dma_semaphore, #tpu.memory_space<semaphore_mem>>) src(%arg7 : memref<128x128xf32, #tpu.memory_space<vmem>>) dst(%dma_wait3A_38 : memref<128x128xf32, #tpu.memory_space<vmem_shared>>)
      tpu.yield
    }) : () -> ()
    %mul3A_19 = arith.constant 640 : i32
    %mul3A_20 = arith.muli %arg1, %mul3A_19 : i32
    %add3A_21 = arith.constant 512 : i32
    %add3A_22 = arith.addi %mul3A_20, %add3A_21 : i32
    "tpu.region"() ({
      %run_scoped3A = tpu.sem_alloc : memref<!tpu.dma_semaphore, #tpu.memory_space<semaphore_mem>>
      %dma_start3A = arith.constant 0 : i32
      %dma_start3A_33 = tpu.memref_slice %arg8[%add3A_22, %dma_start3A] : memref<10240x128xf32, #tpu.memory_space<vmem_shared>> -> memref<128x128xf32, #tpu.memory_space<vmem_shared>>
      %dma_start3A_34 = arith.constant 0 : i32
      %dma_start3A_35 = tpu.memref_slice %arg8[%add3A_22, %dma_start3A_34] : memref<10240x128xf32, #tpu.memory_space<vmem_shared>> -> memref<128x128xf32, #tpu.memory_space<vmem_shared>>
      tpu.enqueue_dma source(%arg7 : memref<128x128xf32, #tpu.memory_space<vmem>>) target(%dma_start3A_35 : memref<128x128xf32, #tpu.memory_space<vmem_shared>>) target_semaphore(%run_scoped3A : memref<!tpu.dma_semaphore, #tpu.memory_space<semaphore_mem>>)
      %dma_wait3A = arith.constant 0 : i32
      %dma_wait3A_36 = tpu.memref_slice %arg8[%add3A_22, %dma_wait3A] : memref<10240x128xf32, #tpu.memory_space<vmem_shared>> -> memref<128x128xf32, #tpu.memory_space<vmem_shared>>
      %dma_wait3A_37 = arith.constant 0 : i32
      %dma_wait3A_38 = tpu.memref_slice %arg8[%add3A_22, %dma_wait3A_37] : memref<10240x128xf32, #tpu.memory_space<vmem_shared>> -> memref<128x128xf32, #tpu.memory_space<vmem_shared>>
      tpu.wait_dma2 semaphore(%run_scoped3A : memref<!tpu.dma_semaphore, #tpu.memory_space<semaphore_mem>>) src(%arg7 : memref<128x128xf32, #tpu.memory_space<vmem>>) dst(%dma_wait3A_38 : memref<128x128xf32, #tpu.memory_space<vmem_shared>>)
      tpu.yield
    }) : () -> ()
    %barrier3A = arith.constant 0 : index
    tpu.barrier barrier_id(%barrier3A)
    "tpu.region"() ({
      %run_scoped3A = tpu.sem_alloc : memref<!tpu.dma_semaphore, #tpu.memory_space<semaphore_mem>>
      %dma_start3A = arith.constant 0 : i32
      %dma_start3A_33 = tpu.memref_slice %arg2[%mul3A_2, %dma_start3A] : memref<2560x128xi32, #tpu.memory_space<hbm>> -> memref<80x128xi32, #tpu.memory_space<hbm>>
      %dma_start3A_34 = arith.constant 0 : i32
      %dma_start3A_35 = tpu.memref_slice %arg2[%mul3A_2, %dma_start3A_34] : memref<2560x128xi32, #tpu.memory_space<hbm>> -> memref<80x128xi32, #tpu.memory_space<hbm>>
      tpu.enqueue_dma source(%dma_start3A_35 : memref<80x128xi32, #tpu.memory_space<hbm>>) target(%arg6 : memref<80x128xi32, #tpu.memory_space<vmem>>) target_semaphore(%run_scoped3A : memref<!tpu.dma_semaphore, #tpu.memory_space<semaphore_mem>>)
      %dma_wait3A = arith.constant 0 : i32
      %dma_wait3A_36 = tpu.memref_slice %arg2[%mul3A_2, %dma_wait3A] : memref<2560x128xi32, #tpu.memory_space<hbm>> -> memref<80x128xi32, #tpu.memory_space<hbm>>
      %dma_wait3A_37 = arith.constant 0 : i32
      %dma_wait3A_38 = tpu.memref_slice %arg2[%mul3A_2, %dma_wait3A_37] : memref<2560x128xi32, #tpu.memory_space<hbm>> -> memref<80x128xi32, #tpu.memory_space<hbm>>
      tpu.wait_dma2 semaphore(%run_scoped3A : memref<!tpu.dma_semaphore, #tpu.memory_space<semaphore_mem>>) src(%dma_wait3A_38 : memref<80x128xi32, #tpu.memory_space<hbm>>) dst(%arg6 : memref<80x128xi32, #tpu.memory_space<vmem>>)
      tpu.yield
    }) : () -> ()
    "tpu.region"() ({
      %run_scoped3A = tpu.sem_alloc : memref<!tpu.dma_semaphore, #tpu.memory_space<semaphore_mem>>
      tpu.enqueue_dma source(%arg4 : memref<128x128xf32, #tpu.memory_space<hbm>>) target(%arg7 : memref<128x128xf32, #tpu.memory_space<vmem>>) target_semaphore(%run_scoped3A : memref<!tpu.dma_semaphore, #tpu.memory_space<semaphore_mem>>)
      tpu.wait_dma2 semaphore(%run_scoped3A : memref<!tpu.dma_semaphore, #tpu.memory_space<semaphore_mem>>) src(%arg4 : memref<128x128xf32, #tpu.memory_space<hbm>>) dst(%arg7 : memref<128x128xf32, #tpu.memory_space<vmem>>)
      tpu.yield
    }) : () -> ()
    %scan3A = arith.constant 0 : i32
    %scan3A_23 = arith.constant 0 : i32
    %scan3A_24 = arith.constant 80 : i32
    %scan3A_25 = arith.addi %scan3A_23, %scan3A_24 : i32
    %scan3A_26 = arith.constant 1 : i32
    scf.for %scan3A_33 = %scan3A_23 to %scan3A_25 step %scan3A_26  : i32 {
      "tpu.region"() ({
        %run_scoped3A = tpu.sem_alloc : memref<!tpu.dma_semaphore, #tpu.memory_space<semaphore_mem>>
        %dma_start3A = arith.constant 0 : i32
        %dma_start3A_34 = tpu.memref_slice %arg6[%scan3A_33, %dma_start3A] : memref<80x128xi32, #tpu.memory_space<vmem>> -> memref<1x128xi32, #tpu.memory_space<vmem>>
        %dma_start3A_35 = tpu.memref_squeeze %dma_start3A_34 : memref<1x128xi32, #tpu.memory_space<vmem>> -> memref<128xi32, #tpu.memory_space<vmem>>
        %dma_start3A_36 = arith.constant 0 : i32
        %dma_start3A_37 = arith.constant 0 : i32
        %dma_start3A_38 = tpu.memref_slice %arg8[%dma_start3A_36, %dma_start3A_37] : memref<10240x128xf32, #tpu.memory_space<vmem_shared>> -> memref<10240x128xf32, #tpu.memory_space<vmem_shared>>
        tpu.enqueue_indirect_dma source(%arg7 : memref<128x128xf32, #tpu.memory_space<vmem>>) target(%dma_start3A_38 : memref<10240x128xf32, #tpu.memory_space<vmem_shared>>) offsets(%dma_start3A_35 : memref<128xi32, #tpu.memory_space<vmem>>) semaphore(%run_scoped3A : memref<!tpu.dma_semaphore, #tpu.memory_space<semaphore_mem>>) {add = true}
        %dma_wait3A = arith.constant 0 : i32
        %dma_wait3A_39 = tpu.memref_slice %arg6[%scan3A_33, %dma_wait3A] : memref<80x128xi32, #tpu.memory_space<vmem>> -> memref<1x128xi32, #tpu.memory_space<vmem>>
        %dma_wait3A_40 = tpu.memref_squeeze %dma_wait3A_39 : memref<1x128xi32, #tpu.memory_space<vmem>> -> memref<128xi32, #tpu.memory_space<vmem>>
        %dma_wait3A_41 = arith.constant 0 : i32
        %dma_wait3A_42 = arith.constant 0 : i32
        %dma_wait3A_43 = tpu.memref_slice %arg8[%dma_wait3A_41, %dma_wait3A_42] : memref<10240x128xf32, #tpu.memory_space<vmem_shared>> -> memref<10240x128xf32, #tpu.memory_space<vmem_shared>>
        tpu.wait_indirect_dma semaphore(%run_scoped3A : memref<!tpu.dma_semaphore, #tpu.memory_space<semaphore_mem>>) src(%arg7 : memref<128x128xf32, #tpu.memory_space<vmem>>) dst(%dma_wait3A_43 : memref<10240x128xf32, #tpu.memory_space<vmem_shared>>)
        tpu.yield
      }) : () -> ()
    }
    %scan3A_27 = arith.constant 80 : i32
    %barrier3A_28 = arith.constant 0 : index
    tpu.barrier barrier_id(%barrier3A_28)
    %mul3A_29 = arith.constant 640 : i32
    %mul3A_30 = arith.muli %arg1, %mul3A_29 : i32
    %mul3A_31 = arith.constant 640 : i32
    %mul3A_32 = arith.muli %arg1, %mul3A_31 : i32
    "tpu.region"() ({
      %run_scoped3A = tpu.sem_alloc : memref<!tpu.dma_semaphore, #tpu.memory_space<semaphore_mem>>
      %dma_start3A = arith.constant 0 : i32
      %dma_start3A_33 = tpu.memref_slice %arg5[%arg0, %mul3A_32, %dma_start3A] : memref<2x10240x128xf32, #tpu.memory_space<hbm>> -> memref<1x640x128xf32, #tpu.memory_space<hbm>>
      %dma_start3A_34 = tpu.memref_squeeze %dma_start3A_33 : memref<1x640x128xf32, #tpu.memory_space<hbm>> -> memref<640x128xf32, #tpu.memory_space<hbm>>
      %dma_start3A_35 = arith.constant 0 : i32
      %dma_start3A_36 = tpu.memref_slice %arg8[%mul3A_30, %dma_start3A_35] : memref<10240x128xf32, #tpu.memory_space<vmem_shared>> -> memref<640x128xf32, #tpu.memory_space<vmem_shared>>
      tpu.enqueue_dma source(%dma_start3A_36 : memref<640x128xf32, #tpu.memory_space<vmem_shared>>) target(%dma_start3A_34 : memref<640x128xf32, #tpu.memory_space<hbm>>) target_semaphore(%run_scoped3A : memref<!tpu.dma_semaphore, #tpu.memory_space<semaphore_mem>>)
      %dma_wait3A = arith.constant 0 : i32
      %dma_wait3A_37 = tpu.memref_slice %arg5[%arg0, %mul3A_32, %dma_wait3A] : memref<2x10240x128xf32, #tpu.memory_space<hbm>> -> memref<1x640x128xf32, #tpu.memory_space<hbm>>
      %dma_wait3A_38 = tpu.memref_squeeze %dma_wait3A_37 : memref<1x640x128xf32, #tpu.memory_space<hbm>> -> memref<640x128xf32, #tpu.memory_space<hbm>>
      %dma_wait3A_39 = arith.constant 0 : i32
      %dma_wait3A_40 = tpu.memref_slice %arg8[%mul3A_30, %dma_wait3A_39] : memref<10240x128xf32, #tpu.memory_space<vmem_shared>> -> memref<640x128xf32, #tpu.memory_space<vmem_shared>>
      tpu.wait_dma2 semaphore(%run_scoped3A : memref<!tpu.dma_semaphore, #tpu.memory_space<semaphore_mem>>) src(%dma_wait3A_40 : memref<640x128xf32, #tpu.memory_space<vmem_shared>>) dst(%dma_wait3A_38 : memref<640x128xf32, #tpu.memory_space<hbm>>)
      tpu.yield
    }) : () -> ()
    return
  }
}

#map = affine_map<(d0, d1) -> (0, 0)>
#map1 = affine_map<(d0, d1) -> (0, 0, 0)>
module attributes {stable_mosaic.version = 14 : i64} {
  func.func @agg_kernel(%arg0: i32, %arg1: i32, %arg2: memref<20480x128xf32, #tpu.memory_space<hbm>>, %arg3: memref<2x2560x128xi32, #tpu.memory_space<hbm>>, %arg4: memref<2560x128xi32, #tpu.memory_space<hbm>>, %arg5: memref<128x128xf32, #tpu.memory_space<hbm>>, %arg6: memref<2x10240x128xf32, #tpu.memory_space<hbm>>, %arg7: memref<40x128xi32, #tpu.memory_space<vmem>>, %arg8: memref<40x128xi32, #tpu.memory_space<vmem>>, %arg9: memref<128x128xf32, #tpu.memory_space<vmem>>, %arg10: memref<128x128xf32, #tpu.memory_space<vmem>>, %arg11: memref<10240x128xf32, #tpu.memory_space<vmem_shared>>, %arg12: memref<!tpu.dma_semaphore, #tpu.memory_space<semaphore_mem>>, %arg13: memref<!tpu.dma_semaphore, #tpu.memory_space<semaphore_mem>>) attributes {dimension_semantics = [#tpu.dimension_semantics<core_parallel>, #tpu.dimension_semantics<subcore_parallel>], iteration_bounds = array<i64: 2, 16>, scalar_prefetch = 0 : i64, scratch_operands = 7 : i64, tpu.core_type = #tpu.core_type<sc_vector_subcore>, window_params = [{transform_indices = #map}, {transform_indices = #map1}, {transform_indices = #map}, {transform_indices = #map}, {transform_indices = #map1}]} {
    %mul3A = arith.constant 160 : i32
    %mul3A_0 = arith.muli %arg1, %mul3A : i32
    "tpu.region"() ({
      %run_scoped3A = tpu.sem_alloc : memref<!tpu.dma_semaphore, #tpu.memory_space<semaphore_mem>>
      tpu.enqueue_dma source(%arg5 : memref<128x128xf32, #tpu.memory_space<hbm>>) target(%arg9 : memref<128x128xf32, #tpu.memory_space<vmem>>) target_semaphore(%run_scoped3A : memref<!tpu.dma_semaphore, #tpu.memory_space<semaphore_mem>>)
      tpu.wait_dma2 semaphore(%run_scoped3A : memref<!tpu.dma_semaphore, #tpu.memory_space<semaphore_mem>>) src(%arg5 : memref<128x128xf32, #tpu.memory_space<hbm>>) dst(%arg9 : memref<128x128xf32, #tpu.memory_space<vmem>>)
      tpu.yield
    }) : () -> ()
    %mul3A_1 = arith.constant 640 : i32
    %mul3A_2 = arith.muli %arg1, %mul3A_1 : i32
    %add3A = arith.constant 0 : i32
    %add3A_3 = arith.addi %mul3A_2, %add3A : i32
    "tpu.region"() ({
      %run_scoped3A = tpu.sem_alloc : memref<!tpu.dma_semaphore, #tpu.memory_space<semaphore_mem>>
      %dma_start3A = arith.constant 0 : i32
      %dma_start3A_30 = tpu.memref_slice %arg11[%add3A_3, %dma_start3A] : memref<10240x128xf32, #tpu.memory_space<vmem_shared>> -> memref<128x128xf32, #tpu.memory_space<vmem_shared>>
      %dma_start3A_31 = arith.constant 0 : i32
      %dma_start3A_32 = tpu.memref_slice %arg11[%add3A_3, %dma_start3A_31] : memref<10240x128xf32, #tpu.memory_space<vmem_shared>> -> memref<128x128xf32, #tpu.memory_space<vmem_shared>>
      tpu.enqueue_dma source(%arg9 : memref<128x128xf32, #tpu.memory_space<vmem>>) target(%dma_start3A_32 : memref<128x128xf32, #tpu.memory_space<vmem_shared>>) target_semaphore(%run_scoped3A : memref<!tpu.dma_semaphore, #tpu.memory_space<semaphore_mem>>)
      %dma_wait3A = arith.constant 0 : i32
      %dma_wait3A_33 = tpu.memref_slice %arg11[%add3A_3, %dma_wait3A] : memref<10240x128xf32, #tpu.memory_space<vmem_shared>> -> memref<128x128xf32, #tpu.memory_space<vmem_shared>>
      %dma_wait3A_34 = arith.constant 0 : i32
      %dma_wait3A_35 = tpu.memref_slice %arg11[%add3A_3, %dma_wait3A_34] : memref<10240x128xf32, #tpu.memory_space<vmem_shared>> -> memref<128x128xf32, #tpu.memory_space<vmem_shared>>
      tpu.wait_dma2 semaphore(%run_scoped3A : memref<!tpu.dma_semaphore, #tpu.memory_space<semaphore_mem>>) src(%arg9 : memref<128x128xf32, #tpu.memory_space<vmem>>) dst(%dma_wait3A_35 : memref<128x128xf32, #tpu.memory_space<vmem_shared>>)
      tpu.yield
    }) : () -> ()
    %mul3A_4 = arith.constant 640 : i32
    %mul3A_5 = arith.muli %arg1, %mul3A_4 : i32
    %add3A_6 = arith.constant 128 : i32
    %add3A_7 = arith.addi %mul3A_5, %add3A_6 : i32
    "tpu.region"() ({
      %run_scoped3A = tpu.sem_alloc : memref<!tpu.dma_semaphore, #tpu.memory_space<semaphore_mem>>
      %dma_start3A = arith.constant 0 : i32
      %dma_start3A_30 = tpu.memref_slice %arg11[%add3A_7, %dma_start3A] : memref<10240x128xf32, #tpu.memory_space<vmem_shared>> -> memref<128x128xf32, #tpu.memory_space<vmem_shared>>
      %dma_start3A_31 = arith.constant 0 : i32
      %dma_start3A_32 = tpu.memref_slice %arg11[%add3A_7, %dma_start3A_31] : memref<10240x128xf32, #tpu.memory_space<vmem_shared>> -> memref<128x128xf32, #tpu.memory_space<vmem_shared>>
      tpu.enqueue_dma source(%arg9 : memref<128x128xf32, #tpu.memory_space<vmem>>) target(%dma_start3A_32 : memref<128x128xf32, #tpu.memory_space<vmem_shared>>) target_semaphore(%run_scoped3A : memref<!tpu.dma_semaphore, #tpu.memory_space<semaphore_mem>>)
      %dma_wait3A = arith.constant 0 : i32
      %dma_wait3A_33 = tpu.memref_slice %arg11[%add3A_7, %dma_wait3A] : memref<10240x128xf32, #tpu.memory_space<vmem_shared>> -> memref<128x128xf32, #tpu.memory_space<vmem_shared>>
      %dma_wait3A_34 = arith.constant 0 : i32
      %dma_wait3A_35 = tpu.memref_slice %arg11[%add3A_7, %dma_wait3A_34] : memref<10240x128xf32, #tpu.memory_space<vmem_shared>> -> memref<128x128xf32, #tpu.memory_space<vmem_shared>>
      tpu.wait_dma2 semaphore(%run_scoped3A : memref<!tpu.dma_semaphore, #tpu.memory_space<semaphore_mem>>) src(%arg9 : memref<128x128xf32, #tpu.memory_space<vmem>>) dst(%dma_wait3A_35 : memref<128x128xf32, #tpu.memory_space<vmem_shared>>)
      tpu.yield
    }) : () -> ()
    %mul3A_8 = arith.constant 640 : i32
    %mul3A_9 = arith.muli %arg1, %mul3A_8 : i32
    %add3A_10 = arith.constant 256 : i32
    %add3A_11 = arith.addi %mul3A_9, %add3A_10 : i32
    "tpu.region"() ({
      %run_scoped3A = tpu.sem_alloc : memref<!tpu.dma_semaphore, #tpu.memory_space<semaphore_mem>>
      %dma_start3A = arith.constant 0 : i32
      %dma_start3A_30 = tpu.memref_slice %arg11[%add3A_11, %dma_start3A] : memref<10240x128xf32, #tpu.memory_space<vmem_shared>> -> memref<128x128xf32, #tpu.memory_space<vmem_shared>>
      %dma_start3A_31 = arith.constant 0 : i32
      %dma_start3A_32 = tpu.memref_slice %arg11[%add3A_11, %dma_start3A_31] : memref<10240x128xf32, #tpu.memory_space<vmem_shared>> -> memref<128x128xf32, #tpu.memory_space<vmem_shared>>
      tpu.enqueue_dma source(%arg9 : memref<128x128xf32, #tpu.memory_space<vmem>>) target(%dma_start3A_32 : memref<128x128xf32, #tpu.memory_space<vmem_shared>>) target_semaphore(%run_scoped3A : memref<!tpu.dma_semaphore, #tpu.memory_space<semaphore_mem>>)
      %dma_wait3A = arith.constant 0 : i32
      %dma_wait3A_33 = tpu.memref_slice %arg11[%add3A_11, %dma_wait3A] : memref<10240x128xf32, #tpu.memory_space<vmem_shared>> -> memref<128x128xf32, #tpu.memory_space<vmem_shared>>
      %dma_wait3A_34 = arith.constant 0 : i32
      %dma_wait3A_35 = tpu.memref_slice %arg11[%add3A_11, %dma_wait3A_34] : memref<10240x128xf32, #tpu.memory_space<vmem_shared>> -> memref<128x128xf32, #tpu.memory_space<vmem_shared>>
      tpu.wait_dma2 semaphore(%run_scoped3A : memref<!tpu.dma_semaphore, #tpu.memory_space<semaphore_mem>>) src(%arg9 : memref<128x128xf32, #tpu.memory_space<vmem>>) dst(%dma_wait3A_35 : memref<128x128xf32, #tpu.memory_space<vmem_shared>>)
      tpu.yield
    }) : () -> ()
    %mul3A_12 = arith.constant 640 : i32
    %mul3A_13 = arith.muli %arg1, %mul3A_12 : i32
    %add3A_14 = arith.constant 384 : i32
    %add3A_15 = arith.addi %mul3A_13, %add3A_14 : i32
    "tpu.region"() ({
      %run_scoped3A = tpu.sem_alloc : memref<!tpu.dma_semaphore, #tpu.memory_space<semaphore_mem>>
      %dma_start3A = arith.constant 0 : i32
      %dma_start3A_30 = tpu.memref_slice %arg11[%add3A_15, %dma_start3A] : memref<10240x128xf32, #tpu.memory_space<vmem_shared>> -> memref<128x128xf32, #tpu.memory_space<vmem_shared>>
      %dma_start3A_31 = arith.constant 0 : i32
      %dma_start3A_32 = tpu.memref_slice %arg11[%add3A_15, %dma_start3A_31] : memref<10240x128xf32, #tpu.memory_space<vmem_shared>> -> memref<128x128xf32, #tpu.memory_space<vmem_shared>>
      tpu.enqueue_dma source(%arg9 : memref<128x128xf32, #tpu.memory_space<vmem>>) target(%dma_start3A_32 : memref<128x128xf32, #tpu.memory_space<vmem_shared>>) target_semaphore(%run_scoped3A : memref<!tpu.dma_semaphore, #tpu.memory_space<semaphore_mem>>)
      %dma_wait3A = arith.constant 0 : i32
      %dma_wait3A_33 = tpu.memref_slice %arg11[%add3A_15, %dma_wait3A] : memref<10240x128xf32, #tpu.memory_space<vmem_shared>> -> memref<128x128xf32, #tpu.memory_space<vmem_shared>>
      %dma_wait3A_34 = arith.constant 0 : i32
      %dma_wait3A_35 = tpu.memref_slice %arg11[%add3A_15, %dma_wait3A_34] : memref<10240x128xf32, #tpu.memory_space<vmem_shared>> -> memref<128x128xf32, #tpu.memory_space<vmem_shared>>
      tpu.wait_dma2 semaphore(%run_scoped3A : memref<!tpu.dma_semaphore, #tpu.memory_space<semaphore_mem>>) src(%arg9 : memref<128x128xf32, #tpu.memory_space<vmem>>) dst(%dma_wait3A_35 : memref<128x128xf32, #tpu.memory_space<vmem_shared>>)
      tpu.yield
    }) : () -> ()
    %mul3A_16 = arith.constant 640 : i32
    %mul3A_17 = arith.muli %arg1, %mul3A_16 : i32
    %add3A_18 = arith.constant 512 : i32
    %add3A_19 = arith.addi %mul3A_17, %add3A_18 : i32
    "tpu.region"() ({
      %run_scoped3A = tpu.sem_alloc : memref<!tpu.dma_semaphore, #tpu.memory_space<semaphore_mem>>
      %dma_start3A = arith.constant 0 : i32
      %dma_start3A_30 = tpu.memref_slice %arg11[%add3A_19, %dma_start3A] : memref<10240x128xf32, #tpu.memory_space<vmem_shared>> -> memref<128x128xf32, #tpu.memory_space<vmem_shared>>
      %dma_start3A_31 = arith.constant 0 : i32
      %dma_start3A_32 = tpu.memref_slice %arg11[%add3A_19, %dma_start3A_31] : memref<10240x128xf32, #tpu.memory_space<vmem_shared>> -> memref<128x128xf32, #tpu.memory_space<vmem_shared>>
      tpu.enqueue_dma source(%arg9 : memref<128x128xf32, #tpu.memory_space<vmem>>) target(%dma_start3A_32 : memref<128x128xf32, #tpu.memory_space<vmem_shared>>) target_semaphore(%run_scoped3A : memref<!tpu.dma_semaphore, #tpu.memory_space<semaphore_mem>>)
      %dma_wait3A = arith.constant 0 : i32
      %dma_wait3A_33 = tpu.memref_slice %arg11[%add3A_19, %dma_wait3A] : memref<10240x128xf32, #tpu.memory_space<vmem_shared>> -> memref<128x128xf32, #tpu.memory_space<vmem_shared>>
      %dma_wait3A_34 = arith.constant 0 : i32
      %dma_wait3A_35 = tpu.memref_slice %arg11[%add3A_19, %dma_wait3A_34] : memref<10240x128xf32, #tpu.memory_space<vmem_shared>> -> memref<128x128xf32, #tpu.memory_space<vmem_shared>>
      tpu.wait_dma2 semaphore(%run_scoped3A : memref<!tpu.dma_semaphore, #tpu.memory_space<semaphore_mem>>) src(%arg9 : memref<128x128xf32, #tpu.memory_space<vmem>>) dst(%dma_wait3A_35 : memref<128x128xf32, #tpu.memory_space<vmem_shared>>)
      tpu.yield
    }) : () -> ()
    %barrier3A = arith.constant 0 : index
    tpu.barrier barrier_id(%barrier3A)
    %scan3A = arith.constant 0 : i32
    %scan3A_20 = arith.constant 0 : i32
    %scan3A_21 = arith.constant 4 : i32
    %scan3A_22 = arith.addi %scan3A_20, %scan3A_21 : i32
    %scan3A_23 = arith.constant 1 : i32
    scf.for %scan3A_30 = %scan3A_20 to %scan3A_22 step %scan3A_23  : i32 {
      %mul3A_31 = arith.constant 40 : i32
      %mul3A_32 = arith.muli %scan3A_30, %mul3A_31 : i32
      %add3A_33 = arith.addi %mul3A_0, %mul3A_32 : i32
      "tpu.region"() ({
        %run_scoped3A = tpu.sem_alloc : memref<!tpu.dma_semaphore, #tpu.memory_space<semaphore_mem>>
        %dma_start3A_46 = arith.constant 0 : i32
        %dma_start3A_47 = tpu.memref_slice %arg3[%arg0, %add3A_33, %dma_start3A_46] : memref<2x2560x128xi32, #tpu.memory_space<hbm>> -> memref<1x40x128xi32, #tpu.memory_space<hbm>>
        %dma_start3A_48 = tpu.memref_squeeze %dma_start3A_47 : memref<1x40x128xi32, #tpu.memory_space<hbm>> -> memref<40x128xi32, #tpu.memory_space<hbm>>
        %dma_start3A_49 = arith.constant 0 : i32
        %dma_start3A_50 = tpu.memref_slice %arg3[%arg0, %add3A_33, %dma_start3A_49] : memref<2x2560x128xi32, #tpu.memory_space<hbm>> -> memref<1x40x128xi32, #tpu.memory_space<hbm>>
        %dma_start3A_51 = tpu.memref_squeeze %dma_start3A_50 : memref<1x40x128xi32, #tpu.memory_space<hbm>> -> memref<40x128xi32, #tpu.memory_space<hbm>>
        tpu.enqueue_dma source(%dma_start3A_51 : memref<40x128xi32, #tpu.memory_space<hbm>>) target(%arg7 : memref<40x128xi32, #tpu.memory_space<vmem>>) target_semaphore(%run_scoped3A : memref<!tpu.dma_semaphore, #tpu.memory_space<semaphore_mem>>)
        %dma_wait3A = arith.constant 0 : i32
        %dma_wait3A_52 = tpu.memref_slice %arg3[%arg0, %add3A_33, %dma_wait3A] : memref<2x2560x128xi32, #tpu.memory_space<hbm>> -> memref<1x40x128xi32, #tpu.memory_space<hbm>>
        %dma_wait3A_53 = tpu.memref_squeeze %dma_wait3A_52 : memref<1x40x128xi32, #tpu.memory_space<hbm>> -> memref<40x128xi32, #tpu.memory_space<hbm>>
        %dma_wait3A_54 = arith.constant 0 : i32
        %dma_wait3A_55 = tpu.memref_slice %arg3[%arg0, %add3A_33, %dma_wait3A_54] : memref<2x2560x128xi32, #tpu.memory_space<hbm>> -> memref<1x40x128xi32, #tpu.memory_space<hbm>>
        %dma_wait3A_56 = tpu.memref_squeeze %dma_wait3A_55 : memref<1x40x128xi32, #tpu.memory_space<hbm>> -> memref<40x128xi32, #tpu.memory_space<hbm>>
        tpu.wait_dma2 semaphore(%run_scoped3A : memref<!tpu.dma_semaphore, #tpu.memory_space<semaphore_mem>>) src(%dma_wait3A_56 : memref<40x128xi32, #tpu.memory_space<hbm>>) dst(%arg7 : memref<40x128xi32, #tpu.memory_space<vmem>>)
        tpu.yield
      }) : () -> ()
      "tpu.region"() ({
        %run_scoped3A = tpu.sem_alloc : memref<!tpu.dma_semaphore, #tpu.memory_space<semaphore_mem>>
        %dma_start3A_46 = arith.constant 0 : i32
        %dma_start3A_47 = tpu.memref_slice %arg4[%add3A_33, %dma_start3A_46] : memref<2560x128xi32, #tpu.memory_space<hbm>> -> memref<40x128xi32, #tpu.memory_space<hbm>>
        %dma_start3A_48 = arith.constant 0 : i32
        %dma_start3A_49 = tpu.memref_slice %arg4[%add3A_33, %dma_start3A_48] : memref<2560x128xi32, #tpu.memory_space<hbm>> -> memref<40x128xi32, #tpu.memory_space<hbm>>
        tpu.enqueue_dma source(%dma_start3A_49 : memref<40x128xi32, #tpu.memory_space<hbm>>) target(%arg8 : memref<40x128xi32, #tpu.memory_space<vmem>>) target_semaphore(%run_scoped3A : memref<!tpu.dma_semaphore, #tpu.memory_space<semaphore_mem>>)
        %dma_wait3A = arith.constant 0 : i32
        %dma_wait3A_50 = tpu.memref_slice %arg4[%add3A_33, %dma_wait3A] : memref<2560x128xi32, #tpu.memory_space<hbm>> -> memref<40x128xi32, #tpu.memory_space<hbm>>
        %dma_wait3A_51 = arith.constant 0 : i32
        %dma_wait3A_52 = tpu.memref_slice %arg4[%add3A_33, %dma_wait3A_51] : memref<2560x128xi32, #tpu.memory_space<hbm>> -> memref<40x128xi32, #tpu.memory_space<hbm>>
        tpu.wait_dma2 semaphore(%run_scoped3A : memref<!tpu.dma_semaphore, #tpu.memory_space<semaphore_mem>>) src(%dma_wait3A_52 : memref<40x128xi32, #tpu.memory_space<hbm>>) dst(%arg8 : memref<40x128xi32, #tpu.memory_space<vmem>>)
        tpu.yield
      }) : () -> ()
      %dma_start3A = arith.constant 0 : i32
      %dma_start3A_34 = arith.constant 0 : i32
      %dma_start3A_35 = tpu.memref_slice %arg7[%dma_start3A, %dma_start3A_34] : memref<40x128xi32, #tpu.memory_space<vmem>> -> memref<1x128xi32, #tpu.memory_space<vmem>>
      %dma_start3A_36 = tpu.memref_squeeze %dma_start3A_35 : memref<1x128xi32, #tpu.memory_space<vmem>> -> memref<128xi32, #tpu.memory_space<vmem>>
      %dma_start3A_37 = arith.constant 0 : i32
      %dma_start3A_38 = arith.constant 0 : i32
      %dma_start3A_39 = tpu.memref_slice %arg2[%dma_start3A_37, %dma_start3A_38] : memref<20480x128xf32, #tpu.memory_space<hbm>> -> memref<20480x128xf32, #tpu.memory_space<hbm>>
      tpu.enqueue_indirect_dma source(%dma_start3A_39 : memref<20480x128xf32, #tpu.memory_space<hbm>>) target(%arg9 : memref<128x128xf32, #tpu.memory_space<vmem>>) offsets(%dma_start3A_36 : memref<128xi32, #tpu.memory_space<vmem>>) semaphore(%arg12 : memref<!tpu.dma_semaphore, #tpu.memory_space<semaphore_mem>>)
      %scan3A_40 = arith.constant 0 : i32
      %scan3A_41 = arith.constant 0 : i32
      %scan3A_42 = arith.constant 20 : i32
      %scan3A_43 = arith.addi %scan3A_41, %scan3A_42 : i32
      %scan3A_44 = arith.constant 1 : i32
      scf.for %scan3A_46 = %scan3A_41 to %scan3A_43 step %scan3A_44  : i32 {
        %mul3A_47 = arith.constant 2 : i32
        %mul3A_48 = arith.muli %mul3A_47, %scan3A_46 : i32
        %add3A_49 = arith.constant 0 : i32
        %add3A_50 = arith.addi %mul3A_48, %add3A_49 : i32
        %add3A_51 = arith.constant 1 : i32
        %add3A_52 = arith.addi %add3A_50, %add3A_51 : i32
        %lt3A = arith.constant 40 : i32
        %lt3A_53 = arith.cmpi slt, %add3A_52, %lt3A : i32
        %convert_element_type3A = arith.extui %lt3A_53 : i1 to i32
        %cond3A = arith.constant 0 : i32
        %cond3A_54 = arith.cmpi ne, %convert_element_type3A, %cond3A : i32
        scf.if %cond3A_54 {
          %add3A_77 = arith.constant 1 : i32
          %add3A_78 = arith.addi %add3A_50, %add3A_77 : i32
          %dma_start3A_79 = arith.constant 0 : i32
          %dma_start3A_80 = tpu.memref_slice %arg7[%add3A_78, %dma_start3A_79] : memref<40x128xi32, #tpu.memory_space<vmem>> -> memref<1x128xi32, #tpu.memory_space<vmem>>
          %dma_start3A_81 = tpu.memref_squeeze %dma_start3A_80 : memref<1x128xi32, #tpu.memory_space<vmem>> -> memref<128xi32, #tpu.memory_space<vmem>>
          %dma_start3A_82 = arith.constant 0 : i32
          %dma_start3A_83 = arith.constant 0 : i32
          %dma_start3A_84 = tpu.memref_slice %arg2[%dma_start3A_82, %dma_start3A_83] : memref<20480x128xf32, #tpu.memory_space<hbm>> -> memref<20480x128xf32, #tpu.memory_space<hbm>>
          tpu.enqueue_indirect_dma source(%dma_start3A_84 : memref<20480x128xf32, #tpu.memory_space<hbm>>) target(%arg10 : memref<128x128xf32, #tpu.memory_space<vmem>>) offsets(%dma_start3A_81 : memref<128xi32, #tpu.memory_space<vmem>>) semaphore(%arg13 : memref<!tpu.dma_semaphore, #tpu.memory_space<semaphore_mem>>)
        } else {
        }
        %dma_wait3A = arith.constant 0 : i32
        %dma_wait3A_55 = tpu.memref_slice %arg7[%add3A_50, %dma_wait3A] : memref<40x128xi32, #tpu.memory_space<vmem>> -> memref<1x128xi32, #tpu.memory_space<vmem>>
        %dma_wait3A_56 = tpu.memref_squeeze %dma_wait3A_55 : memref<1x128xi32, #tpu.memory_space<vmem>> -> memref<128xi32, #tpu.memory_space<vmem>>
        %dma_wait3A_57 = arith.constant 0 : i32
        %dma_wait3A_58 = arith.constant 0 : i32
        %dma_wait3A_59 = tpu.memref_slice %arg2[%dma_wait3A_57, %dma_wait3A_58] : memref<20480x128xf32, #tpu.memory_space<hbm>> -> memref<20480x128xf32, #tpu.memory_space<hbm>>
        tpu.wait_indirect_dma semaphore(%arg12 : memref<!tpu.dma_semaphore, #tpu.memory_space<semaphore_mem>>) src(%dma_wait3A_59 : memref<20480x128xf32, #tpu.memory_space<hbm>>) dst(%arg9 : memref<128x128xf32, #tpu.memory_space<vmem>>)
        "tpu.region"() ({
          %run_scoped3A = tpu.sem_alloc : memref<!tpu.dma_semaphore, #tpu.memory_space<semaphore_mem>>
          %dma_start3A_77 = arith.constant 0 : i32
          %dma_start3A_78 = tpu.memref_slice %arg8[%add3A_50, %dma_start3A_77] : memref<40x128xi32, #tpu.memory_space<vmem>> -> memref<1x128xi32, #tpu.memory_space<vmem>>
          %dma_start3A_79 = tpu.memref_squeeze %dma_start3A_78 : memref<1x128xi32, #tpu.memory_space<vmem>> -> memref<128xi32, #tpu.memory_space<vmem>>
          %dma_start3A_80 = arith.constant 0 : i32
          %dma_start3A_81 = arith.constant 0 : i32
          %dma_start3A_82 = tpu.memref_slice %arg11[%dma_start3A_80, %dma_start3A_81] : memref<10240x128xf32, #tpu.memory_space<vmem_shared>> -> memref<10240x128xf32, #tpu.memory_space<vmem_shared>>
          tpu.enqueue_indirect_dma source(%arg9 : memref<128x128xf32, #tpu.memory_space<vmem>>) target(%dma_start3A_82 : memref<10240x128xf32, #tpu.memory_space<vmem_shared>>) offsets(%dma_start3A_79 : memref<128xi32, #tpu.memory_space<vmem>>) semaphore(%run_scoped3A : memref<!tpu.dma_semaphore, #tpu.memory_space<semaphore_mem>>) {add = true}
          %dma_wait3A_83 = arith.constant 0 : i32
          %dma_wait3A_84 = tpu.memref_slice %arg8[%add3A_50, %dma_wait3A_83] : memref<40x128xi32, #tpu.memory_space<vmem>> -> memref<1x128xi32, #tpu.memory_space<vmem>>
          %dma_wait3A_85 = tpu.memref_squeeze %dma_wait3A_84 : memref<1x128xi32, #tpu.memory_space<vmem>> -> memref<128xi32, #tpu.memory_space<vmem>>
          %dma_wait3A_86 = arith.constant 0 : i32
          %dma_wait3A_87 = arith.constant 0 : i32
          %dma_wait3A_88 = tpu.memref_slice %arg11[%dma_wait3A_86, %dma_wait3A_87] : memref<10240x128xf32, #tpu.memory_space<vmem_shared>> -> memref<10240x128xf32, #tpu.memory_space<vmem_shared>>
          tpu.wait_indirect_dma semaphore(%run_scoped3A : memref<!tpu.dma_semaphore, #tpu.memory_space<semaphore_mem>>) src(%arg9 : memref<128x128xf32, #tpu.memory_space<vmem>>) dst(%dma_wait3A_88 : memref<10240x128xf32, #tpu.memory_space<vmem_shared>>)
          tpu.yield
        }) : () -> ()
        %mul3A_60 = arith.constant 2 : i32
        %mul3A_61 = arith.muli %mul3A_60, %scan3A_46 : i32
        %add3A_62 = arith.constant 1 : i32
        %add3A_63 = arith.addi %mul3A_61, %add3A_62 : i32
        %add3A_64 = arith.constant 1 : i32
        %add3A_65 = arith.addi %add3A_63, %add3A_64 : i32
        %lt3A_66 = arith.constant 40 : i32
        %lt3A_67 = arith.cmpi slt, %add3A_65, %lt3A_66 : i32
        %convert_element_type3A_68 = arith.extui %lt3A_67 : i1 to i32
        %cond3A_69 = arith.constant 0 : i32
        %cond3A_70 = arith.cmpi ne, %convert_element_type3A_68, %cond3A_69 : i32
        scf.if %cond3A_70 {
          %add3A_77 = arith.constant 1 : i32
          %add3A_78 = arith.addi %add3A_63, %add3A_77 : i32
          %dma_start3A_79 = arith.constant 0 : i32
          %dma_start3A_80 = tpu.memref_slice %arg7[%add3A_78, %dma_start3A_79] : memref<40x128xi32, #tpu.memory_space<vmem>> -> memref<1x128xi32, #tpu.memory_space<vmem>>
          %dma_start3A_81 = tpu.memref_squeeze %dma_start3A_80 : memref<1x128xi32, #tpu.memory_space<vmem>> -> memref<128xi32, #tpu.memory_space<vmem>>
          %dma_start3A_82 = arith.constant 0 : i32
          %dma_start3A_83 = arith.constant 0 : i32
          %dma_start3A_84 = tpu.memref_slice %arg2[%dma_start3A_82, %dma_start3A_83] : memref<20480x128xf32, #tpu.memory_space<hbm>> -> memref<20480x128xf32, #tpu.memory_space<hbm>>
          tpu.enqueue_indirect_dma source(%dma_start3A_84 : memref<20480x128xf32, #tpu.memory_space<hbm>>) target(%arg9 : memref<128x128xf32, #tpu.memory_space<vmem>>) offsets(%dma_start3A_81 : memref<128xi32, #tpu.memory_space<vmem>>) semaphore(%arg12 : memref<!tpu.dma_semaphore, #tpu.memory_space<semaphore_mem>>)
        } else {
        }
        %dma_wait3A_71 = arith.constant 0 : i32
        %dma_wait3A_72 = tpu.memref_slice %arg7[%add3A_63, %dma_wait3A_71] : memref<40x128xi32, #tpu.memory_space<vmem>> -> memref<1x128xi32, #tpu.memory_space<vmem>>
        %dma_wait3A_73 = tpu.memref_squeeze %dma_wait3A_72 : memref<1x128xi32, #tpu.memory_space<vmem>> -> memref<128xi32, #tpu.memory_space<vmem>>
        %dma_wait3A_74 = arith.constant 0 : i32
        %dma_wait3A_75 = arith.constant 0 : i32
        %dma_wait3A_76 = tpu.memref_slice %arg2[%dma_wait3A_74, %dma_wait3A_75] : memref<20480x128xf32, #tpu.memory_space<hbm>> -> memref<20480x128xf32, #tpu.memory_space<hbm>>
        tpu.wait_indirect_dma semaphore(%arg13 : memref<!tpu.dma_semaphore, #tpu.memory_space<semaphore_mem>>) src(%dma_wait3A_76 : memref<20480x128xf32, #tpu.memory_space<hbm>>) dst(%arg10 : memref<128x128xf32, #tpu.memory_space<vmem>>)
        "tpu.region"() ({
          %run_scoped3A = tpu.sem_alloc : memref<!tpu.dma_semaphore, #tpu.memory_space<semaphore_mem>>
          %dma_start3A_77 = arith.constant 0 : i32
          %dma_start3A_78 = tpu.memref_slice %arg8[%add3A_63, %dma_start3A_77] : memref<40x128xi32, #tpu.memory_space<vmem>> -> memref<1x128xi32, #tpu.memory_space<vmem>>
          %dma_start3A_79 = tpu.memref_squeeze %dma_start3A_78 : memref<1x128xi32, #tpu.memory_space<vmem>> -> memref<128xi32, #tpu.memory_space<vmem>>
          %dma_start3A_80 = arith.constant 0 : i32
          %dma_start3A_81 = arith.constant 0 : i32
          %dma_start3A_82 = tpu.memref_slice %arg11[%dma_start3A_80, %dma_start3A_81] : memref<10240x128xf32, #tpu.memory_space<vmem_shared>> -> memref<10240x128xf32, #tpu.memory_space<vmem_shared>>
          tpu.enqueue_indirect_dma source(%arg10 : memref<128x128xf32, #tpu.memory_space<vmem>>) target(%dma_start3A_82 : memref<10240x128xf32, #tpu.memory_space<vmem_shared>>) offsets(%dma_start3A_79 : memref<128xi32, #tpu.memory_space<vmem>>) semaphore(%run_scoped3A : memref<!tpu.dma_semaphore, #tpu.memory_space<semaphore_mem>>) {add = true}
          %dma_wait3A_83 = arith.constant 0 : i32
          %dma_wait3A_84 = tpu.memref_slice %arg8[%add3A_63, %dma_wait3A_83] : memref<40x128xi32, #tpu.memory_space<vmem>> -> memref<1x128xi32, #tpu.memory_space<vmem>>
          %dma_wait3A_85 = tpu.memref_squeeze %dma_wait3A_84 : memref<1x128xi32, #tpu.memory_space<vmem>> -> memref<128xi32, #tpu.memory_space<vmem>>
          %dma_wait3A_86 = arith.constant 0 : i32
          %dma_wait3A_87 = arith.constant 0 : i32
          %dma_wait3A_88 = tpu.memref_slice %arg11[%dma_wait3A_86, %dma_wait3A_87] : memref<10240x128xf32, #tpu.memory_space<vmem_shared>> -> memref<10240x128xf32, #tpu.memory_space<vmem_shared>>
          tpu.wait_indirect_dma semaphore(%run_scoped3A : memref<!tpu.dma_semaphore, #tpu.memory_space<semaphore_mem>>) src(%arg10 : memref<128x128xf32, #tpu.memory_space<vmem>>) dst(%dma_wait3A_88 : memref<10240x128xf32, #tpu.memory_space<vmem_shared>>)
          tpu.yield
        }) : () -> ()
      }
      %scan3A_45 = arith.constant 20 : i32
    }
    %scan3A_24 = arith.constant 4 : i32
    %barrier3A_25 = arith.constant 0 : index
    tpu.barrier barrier_id(%barrier3A_25)
    %mul3A_26 = arith.constant 640 : i32
    %mul3A_27 = arith.muli %arg1, %mul3A_26 : i32
    %mul3A_28 = arith.constant 640 : i32
    %mul3A_29 = arith.muli %arg1, %mul3A_28 : i32
    "tpu.region"() ({
      %run_scoped3A = tpu.sem_alloc : memref<!tpu.dma_semaphore, #tpu.memory_space<semaphore_mem>>
      %dma_start3A = arith.constant 0 : i32
      %dma_start3A_30 = tpu.memref_slice %arg6[%arg0, %mul3A_29, %dma_start3A] : memref<2x10240x128xf32, #tpu.memory_space<hbm>> -> memref<1x640x128xf32, #tpu.memory_space<hbm>>
      %dma_start3A_31 = tpu.memref_squeeze %dma_start3A_30 : memref<1x640x128xf32, #tpu.memory_space<hbm>> -> memref<640x128xf32, #tpu.memory_space<hbm>>
      %dma_start3A_32 = arith.constant 0 : i32
      %dma_start3A_33 = tpu.memref_slice %arg11[%mul3A_27, %dma_start3A_32] : memref<10240x128xf32, #tpu.memory_space<vmem_shared>> -> memref<640x128xf32, #tpu.memory_space<vmem_shared>>
      tpu.enqueue_dma source(%dma_start3A_33 : memref<640x128xf32, #tpu.memory_space<vmem_shared>>) target(%dma_start3A_31 : memref<640x128xf32, #tpu.memory_space<hbm>>) target_semaphore(%run_scoped3A : memref<!tpu.dma_semaphore, #tpu.memory_space<semaphore_mem>>)
      %dma_wait3A = arith.constant 0 : i32
      %dma_wait3A_34 = tpu.memref_slice %arg6[%arg0, %mul3A_29, %dma_wait3A] : memref<2x10240x128xf32, #tpu.memory_space<hbm>> -> memref<1x640x128xf32, #tpu.memory_space<hbm>>
      %dma_wait3A_35 = tpu.memref_squeeze %dma_wait3A_34 : memref<1x640x128xf32, #tpu.memory_space<hbm>> -> memref<640x128xf32, #tpu.memory_space<hbm>>
      %dma_wait3A_36 = arith.constant 0 : i32
      %dma_wait3A_37 = tpu.memref_slice %arg11[%mul3A_27, %dma_wait3A_36] : memref<10240x128xf32, #tpu.memory_space<vmem_shared>> -> memref<640x128xf32, #tpu.memory_space<vmem_shared>>
      tpu.wait_dma2 semaphore(%run_scoped3A : memref<!tpu.dma_semaphore, #tpu.memory_space<semaphore_mem>>) src(%dma_wait3A_37 : memref<640x128xf32, #tpu.memory_space<vmem_shared>>) dst(%dma_wait3A_35 : memref<640x128xf32, #tpu.memory_space<hbm>>)
      tpu.yield
    }) : () -> ()
    return
  }
}

#map = affine_map<(d0, d1) -> (0, 0)>
#map1 = affine_map<(d0, d1) -> (0, 0, 0)>
module attributes {stable_mosaic.version = 14 : i64} {
  func.func @agg_kernel(%arg0: i32, %arg1: i32, %arg2: memref<10240x128xf32, #tpu.memory_space<hbm>>, %arg3: memref<2560x128xi32, #tpu.memory_space<hbm>>, %arg4: memref<2560x128xi32, #tpu.memory_space<hbm>>, %arg5: memref<128x128xf32, #tpu.memory_space<hbm>>, %arg6: memref<2x10240x128xf32, #tpu.memory_space<hbm>>, %arg7: memref<40x128xi32, #tpu.memory_space<vmem>>, %arg8: memref<40x128xi32, #tpu.memory_space<vmem>>, %arg9: memref<128x128xf32, #tpu.memory_space<vmem>>, %arg10: memref<128x128xf32, #tpu.memory_space<vmem>>, %arg11: memref<10240x128xf32, #tpu.memory_space<vmem_shared>>, %arg12: memref<!tpu.dma_semaphore, #tpu.memory_space<semaphore_mem>>, %arg13: memref<!tpu.dma_semaphore, #tpu.memory_space<semaphore_mem>>) attributes {dimension_semantics = [#tpu.dimension_semantics<core_parallel>, #tpu.dimension_semantics<subcore_parallel>], iteration_bounds = array<i64: 2, 16>, scalar_prefetch = 0 : i64, scratch_operands = 7 : i64, tpu.core_type = #tpu.core_type<sc_vector_subcore>, window_params = [{transform_indices = #map}, {transform_indices = #map}, {transform_indices = #map}, {transform_indices = #map}, {transform_indices = #map1}]} {
    %mul3A = arith.constant 16 : i32
    %mul3A_0 = arith.muli %arg0, %mul3A : i32
    %add3A = arith.addi %mul3A_0, %arg1 : i32
    %mul3A_1 = arith.constant 80 : i32
    %mul3A_2 = arith.muli %add3A, %mul3A_1 : i32
    "tpu.region"() ({
      %run_scoped3A = tpu.sem_alloc : memref<!tpu.dma_semaphore, #tpu.memory_space<semaphore_mem>>
      tpu.enqueue_dma source(%arg5 : memref<128x128xf32, #tpu.memory_space<hbm>>) target(%arg9 : memref<128x128xf32, #tpu.memory_space<vmem>>) target_semaphore(%run_scoped3A : memref<!tpu.dma_semaphore, #tpu.memory_space<semaphore_mem>>)
      tpu.wait_dma2 semaphore(%run_scoped3A : memref<!tpu.dma_semaphore, #tpu.memory_space<semaphore_mem>>) src(%arg5 : memref<128x128xf32, #tpu.memory_space<hbm>>) dst(%arg9 : memref<128x128xf32, #tpu.memory_space<vmem>>)
      tpu.yield
    }) : () -> ()
    %mul3A_3 = arith.constant 640 : i32
    %mul3A_4 = arith.muli %arg1, %mul3A_3 : i32
    %add3A_5 = arith.constant 0 : i32
    %add3A_6 = arith.addi %mul3A_4, %add3A_5 : i32
    "tpu.region"() ({
      %run_scoped3A = tpu.sem_alloc : memref<!tpu.dma_semaphore, #tpu.memory_space<semaphore_mem>>
      %dma_start3A = arith.constant 0 : i32
      %dma_start3A_33 = tpu.memref_slice %arg11[%add3A_6, %dma_start3A] : memref<10240x128xf32, #tpu.memory_space<vmem_shared>> -> memref<128x128xf32, #tpu.memory_space<vmem_shared>>
      %dma_start3A_34 = arith.constant 0 : i32
      %dma_start3A_35 = tpu.memref_slice %arg11[%add3A_6, %dma_start3A_34] : memref<10240x128xf32, #tpu.memory_space<vmem_shared>> -> memref<128x128xf32, #tpu.memory_space<vmem_shared>>
      tpu.enqueue_dma source(%arg9 : memref<128x128xf32, #tpu.memory_space<vmem>>) target(%dma_start3A_35 : memref<128x128xf32, #tpu.memory_space<vmem_shared>>) target_semaphore(%run_scoped3A : memref<!tpu.dma_semaphore, #tpu.memory_space<semaphore_mem>>)
      %dma_wait3A = arith.constant 0 : i32
      %dma_wait3A_36 = tpu.memref_slice %arg11[%add3A_6, %dma_wait3A] : memref<10240x128xf32, #tpu.memory_space<vmem_shared>> -> memref<128x128xf32, #tpu.memory_space<vmem_shared>>
      %dma_wait3A_37 = arith.constant 0 : i32
      %dma_wait3A_38 = tpu.memref_slice %arg11[%add3A_6, %dma_wait3A_37] : memref<10240x128xf32, #tpu.memory_space<vmem_shared>> -> memref<128x128xf32, #tpu.memory_space<vmem_shared>>
      tpu.wait_dma2 semaphore(%run_scoped3A : memref<!tpu.dma_semaphore, #tpu.memory_space<semaphore_mem>>) src(%arg9 : memref<128x128xf32, #tpu.memory_space<vmem>>) dst(%dma_wait3A_38 : memref<128x128xf32, #tpu.memory_space<vmem_shared>>)
      tpu.yield
    }) : () -> ()
    %mul3A_7 = arith.constant 640 : i32
    %mul3A_8 = arith.muli %arg1, %mul3A_7 : i32
    %add3A_9 = arith.constant 128 : i32
    %add3A_10 = arith.addi %mul3A_8, %add3A_9 : i32
    "tpu.region"() ({
      %run_scoped3A = tpu.sem_alloc : memref<!tpu.dma_semaphore, #tpu.memory_space<semaphore_mem>>
      %dma_start3A = arith.constant 0 : i32
      %dma_start3A_33 = tpu.memref_slice %arg11[%add3A_10, %dma_start3A] : memref<10240x128xf32, #tpu.memory_space<vmem_shared>> -> memref<128x128xf32, #tpu.memory_space<vmem_shared>>
      %dma_start3A_34 = arith.constant 0 : i32
      %dma_start3A_35 = tpu.memref_slice %arg11[%add3A_10, %dma_start3A_34] : memref<10240x128xf32, #tpu.memory_space<vmem_shared>> -> memref<128x128xf32, #tpu.memory_space<vmem_shared>>
      tpu.enqueue_dma source(%arg9 : memref<128x128xf32, #tpu.memory_space<vmem>>) target(%dma_start3A_35 : memref<128x128xf32, #tpu.memory_space<vmem_shared>>) target_semaphore(%run_scoped3A : memref<!tpu.dma_semaphore, #tpu.memory_space<semaphore_mem>>)
      %dma_wait3A = arith.constant 0 : i32
      %dma_wait3A_36 = tpu.memref_slice %arg11[%add3A_10, %dma_wait3A] : memref<10240x128xf32, #tpu.memory_space<vmem_shared>> -> memref<128x128xf32, #tpu.memory_space<vmem_shared>>
      %dma_wait3A_37 = arith.constant 0 : i32
      %dma_wait3A_38 = tpu.memref_slice %arg11[%add3A_10, %dma_wait3A_37] : memref<10240x128xf32, #tpu.memory_space<vmem_shared>> -> memref<128x128xf32, #tpu.memory_space<vmem_shared>>
      tpu.wait_dma2 semaphore(%run_scoped3A : memref<!tpu.dma_semaphore, #tpu.memory_space<semaphore_mem>>) src(%arg9 : memref<128x128xf32, #tpu.memory_space<vmem>>) dst(%dma_wait3A_38 : memref<128x128xf32, #tpu.memory_space<vmem_shared>>)
      tpu.yield
    }) : () -> ()
    %mul3A_11 = arith.constant 640 : i32
    %mul3A_12 = arith.muli %arg1, %mul3A_11 : i32
    %add3A_13 = arith.constant 256 : i32
    %add3A_14 = arith.addi %mul3A_12, %add3A_13 : i32
    "tpu.region"() ({
      %run_scoped3A = tpu.sem_alloc : memref<!tpu.dma_semaphore, #tpu.memory_space<semaphore_mem>>
      %dma_start3A = arith.constant 0 : i32
      %dma_start3A_33 = tpu.memref_slice %arg11[%add3A_14, %dma_start3A] : memref<10240x128xf32, #tpu.memory_space<vmem_shared>> -> memref<128x128xf32, #tpu.memory_space<vmem_shared>>
      %dma_start3A_34 = arith.constant 0 : i32
      %dma_start3A_35 = tpu.memref_slice %arg11[%add3A_14, %dma_start3A_34] : memref<10240x128xf32, #tpu.memory_space<vmem_shared>> -> memref<128x128xf32, #tpu.memory_space<vmem_shared>>
      tpu.enqueue_dma source(%arg9 : memref<128x128xf32, #tpu.memory_space<vmem>>) target(%dma_start3A_35 : memref<128x128xf32, #tpu.memory_space<vmem_shared>>) target_semaphore(%run_scoped3A : memref<!tpu.dma_semaphore, #tpu.memory_space<semaphore_mem>>)
      %dma_wait3A = arith.constant 0 : i32
      %dma_wait3A_36 = tpu.memref_slice %arg11[%add3A_14, %dma_wait3A] : memref<10240x128xf32, #tpu.memory_space<vmem_shared>> -> memref<128x128xf32, #tpu.memory_space<vmem_shared>>
      %dma_wait3A_37 = arith.constant 0 : i32
      %dma_wait3A_38 = tpu.memref_slice %arg11[%add3A_14, %dma_wait3A_37] : memref<10240x128xf32, #tpu.memory_space<vmem_shared>> -> memref<128x128xf32, #tpu.memory_space<vmem_shared>>
      tpu.wait_dma2 semaphore(%run_scoped3A : memref<!tpu.dma_semaphore, #tpu.memory_space<semaphore_mem>>) src(%arg9 : memref<128x128xf32, #tpu.memory_space<vmem>>) dst(%dma_wait3A_38 : memref<128x128xf32, #tpu.memory_space<vmem_shared>>)
      tpu.yield
    }) : () -> ()
    %mul3A_15 = arith.constant 640 : i32
    %mul3A_16 = arith.muli %arg1, %mul3A_15 : i32
    %add3A_17 = arith.constant 384 : i32
    %add3A_18 = arith.addi %mul3A_16, %add3A_17 : i32
    "tpu.region"() ({
      %run_scoped3A = tpu.sem_alloc : memref<!tpu.dma_semaphore, #tpu.memory_space<semaphore_mem>>
      %dma_start3A = arith.constant 0 : i32
      %dma_start3A_33 = tpu.memref_slice %arg11[%add3A_18, %dma_start3A] : memref<10240x128xf32, #tpu.memory_space<vmem_shared>> -> memref<128x128xf32, #tpu.memory_space<vmem_shared>>
      %dma_start3A_34 = arith.constant 0 : i32
      %dma_start3A_35 = tpu.memref_slice %arg11[%add3A_18, %dma_start3A_34] : memref<10240x128xf32, #tpu.memory_space<vmem_shared>> -> memref<128x128xf32, #tpu.memory_space<vmem_shared>>
      tpu.enqueue_dma source(%arg9 : memref<128x128xf32, #tpu.memory_space<vmem>>) target(%dma_start3A_35 : memref<128x128xf32, #tpu.memory_space<vmem_shared>>) target_semaphore(%run_scoped3A : memref<!tpu.dma_semaphore, #tpu.memory_space<semaphore_mem>>)
      %dma_wait3A = arith.constant 0 : i32
      %dma_wait3A_36 = tpu.memref_slice %arg11[%add3A_18, %dma_wait3A] : memref<10240x128xf32, #tpu.memory_space<vmem_shared>> -> memref<128x128xf32, #tpu.memory_space<vmem_shared>>
      %dma_wait3A_37 = arith.constant 0 : i32
      %dma_wait3A_38 = tpu.memref_slice %arg11[%add3A_18, %dma_wait3A_37] : memref<10240x128xf32, #tpu.memory_space<vmem_shared>> -> memref<128x128xf32, #tpu.memory_space<vmem_shared>>
      tpu.wait_dma2 semaphore(%run_scoped3A : memref<!tpu.dma_semaphore, #tpu.memory_space<semaphore_mem>>) src(%arg9 : memref<128x128xf32, #tpu.memory_space<vmem>>) dst(%dma_wait3A_38 : memref<128x128xf32, #tpu.memory_space<vmem_shared>>)
      tpu.yield
    }) : () -> ()
    %mul3A_19 = arith.constant 640 : i32
    %mul3A_20 = arith.muli %arg1, %mul3A_19 : i32
    %add3A_21 = arith.constant 512 : i32
    %add3A_22 = arith.addi %mul3A_20, %add3A_21 : i32
    "tpu.region"() ({
      %run_scoped3A = tpu.sem_alloc : memref<!tpu.dma_semaphore, #tpu.memory_space<semaphore_mem>>
      %dma_start3A = arith.constant 0 : i32
      %dma_start3A_33 = tpu.memref_slice %arg11[%add3A_22, %dma_start3A] : memref<10240x128xf32, #tpu.memory_space<vmem_shared>> -> memref<128x128xf32, #tpu.memory_space<vmem_shared>>
      %dma_start3A_34 = arith.constant 0 : i32
      %dma_start3A_35 = tpu.memref_slice %arg11[%add3A_22, %dma_start3A_34] : memref<10240x128xf32, #tpu.memory_space<vmem_shared>> -> memref<128x128xf32, #tpu.memory_space<vmem_shared>>
      tpu.enqueue_dma source(%arg9 : memref<128x128xf32, #tpu.memory_space<vmem>>) target(%dma_start3A_35 : memref<128x128xf32, #tpu.memory_space<vmem_shared>>) target_semaphore(%run_scoped3A : memref<!tpu.dma_semaphore, #tpu.memory_space<semaphore_mem>>)
      %dma_wait3A = arith.constant 0 : i32
      %dma_wait3A_36 = tpu.memref_slice %arg11[%add3A_22, %dma_wait3A] : memref<10240x128xf32, #tpu.memory_space<vmem_shared>> -> memref<128x128xf32, #tpu.memory_space<vmem_shared>>
      %dma_wait3A_37 = arith.constant 0 : i32
      %dma_wait3A_38 = tpu.memref_slice %arg11[%add3A_22, %dma_wait3A_37] : memref<10240x128xf32, #tpu.memory_space<vmem_shared>> -> memref<128x128xf32, #tpu.memory_space<vmem_shared>>
      tpu.wait_dma2 semaphore(%run_scoped3A : memref<!tpu.dma_semaphore, #tpu.memory_space<semaphore_mem>>) src(%arg9 : memref<128x128xf32, #tpu.memory_space<vmem>>) dst(%dma_wait3A_38 : memref<128x128xf32, #tpu.memory_space<vmem_shared>>)
      tpu.yield
    }) : () -> ()
    %barrier3A = arith.constant 0 : index
    tpu.barrier barrier_id(%barrier3A)
    %scan3A = arith.constant 0 : i32
    %scan3A_23 = arith.constant 0 : i32
    %scan3A_24 = arith.constant 2 : i32
    %scan3A_25 = arith.addi %scan3A_23, %scan3A_24 : i32
    %scan3A_26 = arith.constant 1 : i32
    scf.for %scan3A_33 = %scan3A_23 to %scan3A_25 step %scan3A_26  : i32 {
      %mul3A_34 = arith.constant 40 : i32
      %mul3A_35 = arith.muli %scan3A_33, %mul3A_34 : i32
      %add3A_36 = arith.addi %mul3A_2, %mul3A_35 : i32
      "tpu.region"() ({
        %run_scoped3A = tpu.sem_alloc : memref<!tpu.dma_semaphore, #tpu.memory_space<semaphore_mem>>
        %dma_start3A_49 = arith.constant 0 : i32
        %dma_start3A_50 = tpu.memref_slice %arg3[%add3A_36, %dma_start3A_49] : memref<2560x128xi32, #tpu.memory_space<hbm>> -> memref<40x128xi32, #tpu.memory_space<hbm>>
        %dma_start3A_51 = arith.constant 0 : i32
        %dma_start3A_52 = tpu.memref_slice %arg3[%add3A_36, %dma_start3A_51] : memref<2560x128xi32, #tpu.memory_space<hbm>> -> memref<40x128xi32, #tpu.memory_space<hbm>>
        tpu.enqueue_dma source(%dma_start3A_52 : memref<40x128xi32, #tpu.memory_space<hbm>>) target(%arg7 : memref<40x128xi32, #tpu.memory_space<vmem>>) target_semaphore(%run_scoped3A : memref<!tpu.dma_semaphore, #tpu.memory_space<semaphore_mem>>)
        %dma_wait3A = arith.constant 0 : i32
        %dma_wait3A_53 = tpu.memref_slice %arg3[%add3A_36, %dma_wait3A] : memref<2560x128xi32, #tpu.memory_space<hbm>> -> memref<40x128xi32, #tpu.memory_space<hbm>>
        %dma_wait3A_54 = arith.constant 0 : i32
        %dma_wait3A_55 = tpu.memref_slice %arg3[%add3A_36, %dma_wait3A_54] : memref<2560x128xi32, #tpu.memory_space<hbm>> -> memref<40x128xi32, #tpu.memory_space<hbm>>
        tpu.wait_dma2 semaphore(%run_scoped3A : memref<!tpu.dma_semaphore, #tpu.memory_space<semaphore_mem>>) src(%dma_wait3A_55 : memref<40x128xi32, #tpu.memory_space<hbm>>) dst(%arg7 : memref<40x128xi32, #tpu.memory_space<vmem>>)
        tpu.yield
      }) : () -> ()
      "tpu.region"() ({
        %run_scoped3A = tpu.sem_alloc : memref<!tpu.dma_semaphore, #tpu.memory_space<semaphore_mem>>
        %dma_start3A_49 = arith.constant 0 : i32
        %dma_start3A_50 = tpu.memref_slice %arg4[%add3A_36, %dma_start3A_49] : memref<2560x128xi32, #tpu.memory_space<hbm>> -> memref<40x128xi32, #tpu.memory_space<hbm>>
        %dma_start3A_51 = arith.constant 0 : i32
        %dma_start3A_52 = tpu.memref_slice %arg4[%add3A_36, %dma_start3A_51] : memref<2560x128xi32, #tpu.memory_space<hbm>> -> memref<40x128xi32, #tpu.memory_space<hbm>>
        tpu.enqueue_dma source(%dma_start3A_52 : memref<40x128xi32, #tpu.memory_space<hbm>>) target(%arg8 : memref<40x128xi32, #tpu.memory_space<vmem>>) target_semaphore(%run_scoped3A : memref<!tpu.dma_semaphore, #tpu.memory_space<semaphore_mem>>)
        %dma_wait3A = arith.constant 0 : i32
        %dma_wait3A_53 = tpu.memref_slice %arg4[%add3A_36, %dma_wait3A] : memref<2560x128xi32, #tpu.memory_space<hbm>> -> memref<40x128xi32, #tpu.memory_space<hbm>>
        %dma_wait3A_54 = arith.constant 0 : i32
        %dma_wait3A_55 = tpu.memref_slice %arg4[%add3A_36, %dma_wait3A_54] : memref<2560x128xi32, #tpu.memory_space<hbm>> -> memref<40x128xi32, #tpu.memory_space<hbm>>
        tpu.wait_dma2 semaphore(%run_scoped3A : memref<!tpu.dma_semaphore, #tpu.memory_space<semaphore_mem>>) src(%dma_wait3A_55 : memref<40x128xi32, #tpu.memory_space<hbm>>) dst(%arg8 : memref<40x128xi32, #tpu.memory_space<vmem>>)
        tpu.yield
      }) : () -> ()
      %dma_start3A = arith.constant 0 : i32
      %dma_start3A_37 = arith.constant 0 : i32
      %dma_start3A_38 = tpu.memref_slice %arg7[%dma_start3A, %dma_start3A_37] : memref<40x128xi32, #tpu.memory_space<vmem>> -> memref<1x128xi32, #tpu.memory_space<vmem>>
      %dma_start3A_39 = tpu.memref_squeeze %dma_start3A_38 : memref<1x128xi32, #tpu.memory_space<vmem>> -> memref<128xi32, #tpu.memory_space<vmem>>
      %dma_start3A_40 = arith.constant 0 : i32
      %dma_start3A_41 = arith.constant 0 : i32
      %dma_start3A_42 = tpu.memref_slice %arg2[%dma_start3A_40, %dma_start3A_41] : memref<10240x128xf32, #tpu.memory_space<hbm>> -> memref<10240x128xf32, #tpu.memory_space<hbm>>
      tpu.enqueue_indirect_dma source(%dma_start3A_42 : memref<10240x128xf32, #tpu.memory_space<hbm>>) target(%arg9 : memref<128x128xf32, #tpu.memory_space<vmem>>) offsets(%dma_start3A_39 : memref<128xi32, #tpu.memory_space<vmem>>) semaphore(%arg12 : memref<!tpu.dma_semaphore, #tpu.memory_space<semaphore_mem>>)
      %scan3A_43 = arith.constant 0 : i32
      %scan3A_44 = arith.constant 0 : i32
      %scan3A_45 = arith.constant 20 : i32
      %scan3A_46 = arith.addi %scan3A_44, %scan3A_45 : i32
      %scan3A_47 = arith.constant 1 : i32
      scf.for %scan3A_49 = %scan3A_44 to %scan3A_46 step %scan3A_47  : i32 {
        %mul3A_50 = arith.constant 2 : i32
        %mul3A_51 = arith.muli %mul3A_50, %scan3A_49 : i32
        %add3A_52 = arith.constant 0 : i32
        %add3A_53 = arith.addi %mul3A_51, %add3A_52 : i32
        %add3A_54 = arith.constant 1 : i32
        %add3A_55 = arith.addi %add3A_53, %add3A_54 : i32
        %lt3A = arith.constant 40 : i32
        %lt3A_56 = arith.cmpi slt, %add3A_55, %lt3A : i32
        %convert_element_type3A = arith.extui %lt3A_56 : i1 to i32
        %cond3A = arith.constant 0 : i32
        %cond3A_57 = arith.cmpi ne, %convert_element_type3A, %cond3A : i32
        scf.if %cond3A_57 {
          %add3A_80 = arith.constant 1 : i32
          %add3A_81 = arith.addi %add3A_53, %add3A_80 : i32
          %dma_start3A_82 = arith.constant 0 : i32
          %dma_start3A_83 = tpu.memref_slice %arg7[%add3A_81, %dma_start3A_82] : memref<40x128xi32, #tpu.memory_space<vmem>> -> memref<1x128xi32, #tpu.memory_space<vmem>>
          %dma_start3A_84 = tpu.memref_squeeze %dma_start3A_83 : memref<1x128xi32, #tpu.memory_space<vmem>> -> memref<128xi32, #tpu.memory_space<vmem>>
          %dma_start3A_85 = arith.constant 0 : i32
          %dma_start3A_86 = arith.constant 0 : i32
          %dma_start3A_87 = tpu.memref_slice %arg2[%dma_start3A_85, %dma_start3A_86] : memref<10240x128xf32, #tpu.memory_space<hbm>> -> memref<10240x128xf32, #tpu.memory_space<hbm>>
          tpu.enqueue_indirect_dma source(%dma_start3A_87 : memref<10240x128xf32, #tpu.memory_space<hbm>>) target(%arg10 : memref<128x128xf32, #tpu.memory_space<vmem>>) offsets(%dma_start3A_84 : memref<128xi32, #tpu.memory_space<vmem>>) semaphore(%arg13 : memref<!tpu.dma_semaphore, #tpu.memory_space<semaphore_mem>>)
        } else {
        }
        %dma_wait3A = arith.constant 0 : i32
        %dma_wait3A_58 = tpu.memref_slice %arg7[%add3A_53, %dma_wait3A] : memref<40x128xi32, #tpu.memory_space<vmem>> -> memref<1x128xi32, #tpu.memory_space<vmem>>
        %dma_wait3A_59 = tpu.memref_squeeze %dma_wait3A_58 : memref<1x128xi32, #tpu.memory_space<vmem>> -> memref<128xi32, #tpu.memory_space<vmem>>
        %dma_wait3A_60 = arith.constant 0 : i32
        %dma_wait3A_61 = arith.constant 0 : i32
        %dma_wait3A_62 = tpu.memref_slice %arg2[%dma_wait3A_60, %dma_wait3A_61] : memref<10240x128xf32, #tpu.memory_space<hbm>> -> memref<10240x128xf32, #tpu.memory_space<hbm>>
        tpu.wait_indirect_dma semaphore(%arg12 : memref<!tpu.dma_semaphore, #tpu.memory_space<semaphore_mem>>) src(%dma_wait3A_62 : memref<10240x128xf32, #tpu.memory_space<hbm>>) dst(%arg9 : memref<128x128xf32, #tpu.memory_space<vmem>>)
        "tpu.region"() ({
          %run_scoped3A = tpu.sem_alloc : memref<!tpu.dma_semaphore, #tpu.memory_space<semaphore_mem>>
          %dma_start3A_80 = arith.constant 0 : i32
          %dma_start3A_81 = tpu.memref_slice %arg8[%add3A_53, %dma_start3A_80] : memref<40x128xi32, #tpu.memory_space<vmem>> -> memref<1x128xi32, #tpu.memory_space<vmem>>
          %dma_start3A_82 = tpu.memref_squeeze %dma_start3A_81 : memref<1x128xi32, #tpu.memory_space<vmem>> -> memref<128xi32, #tpu.memory_space<vmem>>
          %dma_start3A_83 = arith.constant 0 : i32
          %dma_start3A_84 = arith.constant 0 : i32
          %dma_start3A_85 = tpu.memref_slice %arg11[%dma_start3A_83, %dma_start3A_84] : memref<10240x128xf32, #tpu.memory_space<vmem_shared>> -> memref<10240x128xf32, #tpu.memory_space<vmem_shared>>
          tpu.enqueue_indirect_dma source(%arg9 : memref<128x128xf32, #tpu.memory_space<vmem>>) target(%dma_start3A_85 : memref<10240x128xf32, #tpu.memory_space<vmem_shared>>) offsets(%dma_start3A_82 : memref<128xi32, #tpu.memory_space<vmem>>) semaphore(%run_scoped3A : memref<!tpu.dma_semaphore, #tpu.memory_space<semaphore_mem>>) {add = true}
          %dma_wait3A_86 = arith.constant 0 : i32
          %dma_wait3A_87 = tpu.memref_slice %arg8[%add3A_53, %dma_wait3A_86] : memref<40x128xi32, #tpu.memory_space<vmem>> -> memref<1x128xi32, #tpu.memory_space<vmem>>
          %dma_wait3A_88 = tpu.memref_squeeze %dma_wait3A_87 : memref<1x128xi32, #tpu.memory_space<vmem>> -> memref<128xi32, #tpu.memory_space<vmem>>
          %dma_wait3A_89 = arith.constant 0 : i32
          %dma_wait3A_90 = arith.constant 0 : i32
          %dma_wait3A_91 = tpu.memref_slice %arg11[%dma_wait3A_89, %dma_wait3A_90] : memref<10240x128xf32, #tpu.memory_space<vmem_shared>> -> memref<10240x128xf32, #tpu.memory_space<vmem_shared>>
          tpu.wait_indirect_dma semaphore(%run_scoped3A : memref<!tpu.dma_semaphore, #tpu.memory_space<semaphore_mem>>) src(%arg9 : memref<128x128xf32, #tpu.memory_space<vmem>>) dst(%dma_wait3A_91 : memref<10240x128xf32, #tpu.memory_space<vmem_shared>>)
          tpu.yield
        }) : () -> ()
        %mul3A_63 = arith.constant 2 : i32
        %mul3A_64 = arith.muli %mul3A_63, %scan3A_49 : i32
        %add3A_65 = arith.constant 1 : i32
        %add3A_66 = arith.addi %mul3A_64, %add3A_65 : i32
        %add3A_67 = arith.constant 1 : i32
        %add3A_68 = arith.addi %add3A_66, %add3A_67 : i32
        %lt3A_69 = arith.constant 40 : i32
        %lt3A_70 = arith.cmpi slt, %add3A_68, %lt3A_69 : i32
        %convert_element_type3A_71 = arith.extui %lt3A_70 : i1 to i32
        %cond3A_72 = arith.constant 0 : i32
        %cond3A_73 = arith.cmpi ne, %convert_element_type3A_71, %cond3A_72 : i32
        scf.if %cond3A_73 {
          %add3A_80 = arith.constant 1 : i32
          %add3A_81 = arith.addi %add3A_66, %add3A_80 : i32
          %dma_start3A_82 = arith.constant 0 : i32
          %dma_start3A_83 = tpu.memref_slice %arg7[%add3A_81, %dma_start3A_82] : memref<40x128xi32, #tpu.memory_space<vmem>> -> memref<1x128xi32, #tpu.memory_space<vmem>>
          %dma_start3A_84 = tpu.memref_squeeze %dma_start3A_83 : memref<1x128xi32, #tpu.memory_space<vmem>> -> memref<128xi32, #tpu.memory_space<vmem>>
          %dma_start3A_85 = arith.constant 0 : i32
          %dma_start3A_86 = arith.constant 0 : i32
          %dma_start3A_87 = tpu.memref_slice %arg2[%dma_start3A_85, %dma_start3A_86] : memref<10240x128xf32, #tpu.memory_space<hbm>> -> memref<10240x128xf32, #tpu.memory_space<hbm>>
          tpu.enqueue_indirect_dma source(%dma_start3A_87 : memref<10240x128xf32, #tpu.memory_space<hbm>>) target(%arg9 : memref<128x128xf32, #tpu.memory_space<vmem>>) offsets(%dma_start3A_84 : memref<128xi32, #tpu.memory_space<vmem>>) semaphore(%arg12 : memref<!tpu.dma_semaphore, #tpu.memory_space<semaphore_mem>>)
        } else {
        }
        %dma_wait3A_74 = arith.constant 0 : i32
        %dma_wait3A_75 = tpu.memref_slice %arg7[%add3A_66, %dma_wait3A_74] : memref<40x128xi32, #tpu.memory_space<vmem>> -> memref<1x128xi32, #tpu.memory_space<vmem>>
        %dma_wait3A_76 = tpu.memref_squeeze %dma_wait3A_75 : memref<1x128xi32, #tpu.memory_space<vmem>> -> memref<128xi32, #tpu.memory_space<vmem>>
        %dma_wait3A_77 = arith.constant 0 : i32
        %dma_wait3A_78 = arith.constant 0 : i32
        %dma_wait3A_79 = tpu.memref_slice %arg2[%dma_wait3A_77, %dma_wait3A_78] : memref<10240x128xf32, #tpu.memory_space<hbm>> -> memref<10240x128xf32, #tpu.memory_space<hbm>>
        tpu.wait_indirect_dma semaphore(%arg13 : memref<!tpu.dma_semaphore, #tpu.memory_space<semaphore_mem>>) src(%dma_wait3A_79 : memref<10240x128xf32, #tpu.memory_space<hbm>>) dst(%arg10 : memref<128x128xf32, #tpu.memory_space<vmem>>)
        "tpu.region"() ({
          %run_scoped3A = tpu.sem_alloc : memref<!tpu.dma_semaphore, #tpu.memory_space<semaphore_mem>>
          %dma_start3A_80 = arith.constant 0 : i32
          %dma_start3A_81 = tpu.memref_slice %arg8[%add3A_66, %dma_start3A_80] : memref<40x128xi32, #tpu.memory_space<vmem>> -> memref<1x128xi32, #tpu.memory_space<vmem>>
          %dma_start3A_82 = tpu.memref_squeeze %dma_start3A_81 : memref<1x128xi32, #tpu.memory_space<vmem>> -> memref<128xi32, #tpu.memory_space<vmem>>
          %dma_start3A_83 = arith.constant 0 : i32
          %dma_start3A_84 = arith.constant 0 : i32
          %dma_start3A_85 = tpu.memref_slice %arg11[%dma_start3A_83, %dma_start3A_84] : memref<10240x128xf32, #tpu.memory_space<vmem_shared>> -> memref<10240x128xf32, #tpu.memory_space<vmem_shared>>
          tpu.enqueue_indirect_dma source(%arg10 : memref<128x128xf32, #tpu.memory_space<vmem>>) target(%dma_start3A_85 : memref<10240x128xf32, #tpu.memory_space<vmem_shared>>) offsets(%dma_start3A_82 : memref<128xi32, #tpu.memory_space<vmem>>) semaphore(%run_scoped3A : memref<!tpu.dma_semaphore, #tpu.memory_space<semaphore_mem>>) {add = true}
          %dma_wait3A_86 = arith.constant 0 : i32
          %dma_wait3A_87 = tpu.memref_slice %arg8[%add3A_66, %dma_wait3A_86] : memref<40x128xi32, #tpu.memory_space<vmem>> -> memref<1x128xi32, #tpu.memory_space<vmem>>
          %dma_wait3A_88 = tpu.memref_squeeze %dma_wait3A_87 : memref<1x128xi32, #tpu.memory_space<vmem>> -> memref<128xi32, #tpu.memory_space<vmem>>
          %dma_wait3A_89 = arith.constant 0 : i32
          %dma_wait3A_90 = arith.constant 0 : i32
          %dma_wait3A_91 = tpu.memref_slice %arg11[%dma_wait3A_89, %dma_wait3A_90] : memref<10240x128xf32, #tpu.memory_space<vmem_shared>> -> memref<10240x128xf32, #tpu.memory_space<vmem_shared>>
          tpu.wait_indirect_dma semaphore(%run_scoped3A : memref<!tpu.dma_semaphore, #tpu.memory_space<semaphore_mem>>) src(%arg10 : memref<128x128xf32, #tpu.memory_space<vmem>>) dst(%dma_wait3A_91 : memref<10240x128xf32, #tpu.memory_space<vmem_shared>>)
          tpu.yield
        }) : () -> ()
      }
      %scan3A_48 = arith.constant 20 : i32
    }
    %scan3A_27 = arith.constant 2 : i32
    %barrier3A_28 = arith.constant 0 : index
    tpu.barrier barrier_id(%barrier3A_28)
    %mul3A_29 = arith.constant 640 : i32
    %mul3A_30 = arith.muli %arg1, %mul3A_29 : i32
    %mul3A_31 = arith.constant 640 : i32
    %mul3A_32 = arith.muli %arg1, %mul3A_31 : i32
    "tpu.region"() ({
      %run_scoped3A = tpu.sem_alloc : memref<!tpu.dma_semaphore, #tpu.memory_space<semaphore_mem>>
      %dma_start3A = arith.constant 0 : i32
      %dma_start3A_33 = tpu.memref_slice %arg6[%arg0, %mul3A_32, %dma_start3A] : memref<2x10240x128xf32, #tpu.memory_space<hbm>> -> memref<1x640x128xf32, #tpu.memory_space<hbm>>
      %dma_start3A_34 = tpu.memref_squeeze %dma_start3A_33 : memref<1x640x128xf32, #tpu.memory_space<hbm>> -> memref<640x128xf32, #tpu.memory_space<hbm>>
      %dma_start3A_35 = arith.constant 0 : i32
      %dma_start3A_36 = tpu.memref_slice %arg11[%mul3A_30, %dma_start3A_35] : memref<10240x128xf32, #tpu.memory_space<vmem_shared>> -> memref<640x128xf32, #tpu.memory_space<vmem_shared>>
      tpu.enqueue_dma source(%dma_start3A_36 : memref<640x128xf32, #tpu.memory_space<vmem_shared>>) target(%dma_start3A_34 : memref<640x128xf32, #tpu.memory_space<hbm>>) target_semaphore(%run_scoped3A : memref<!tpu.dma_semaphore, #tpu.memory_space<semaphore_mem>>)
      %dma_wait3A = arith.constant 0 : i32
      %dma_wait3A_37 = tpu.memref_slice %arg6[%arg0, %mul3A_32, %dma_wait3A] : memref<2x10240x128xf32, #tpu.memory_space<hbm>> -> memref<1x640x128xf32, #tpu.memory_space<hbm>>
      %dma_wait3A_38 = tpu.memref_squeeze %dma_wait3A_37 : memref<1x640x128xf32, #tpu.memory_space<hbm>> -> memref<640x128xf32, #tpu.memory_space<hbm>>
      %dma_wait3A_39 = arith.constant 0 : i32
      %dma_wait3A_40 = tpu.memref_slice %arg11[%mul3A_30, %dma_wait3A_39] : memref<10240x128xf32, #tpu.memory_space<vmem_shared>> -> memref<640x128xf32, #tpu.memory_space<vmem_shared>>
      tpu.wait_dma2 semaphore(%run_scoped3A : memref<!tpu.dma_semaphore, #tpu.memory_space<semaphore_mem>>) src(%dma_wait3A_40 : memref<640x128xf32, #tpu.memory_space<vmem_shared>>) dst(%dma_wait3A_38 : memref<640x128xf32, #tpu.memory_space<hbm>>)
      tpu.yield
    }) : () -> ()
    return
  }
}

module attributes {stable_mosaic.version = 14 : i64} {
  func.func @body(%arg0: i32, %arg1: memref<2x640x128xf32, #tpu.memory_space<vmem>>, %arg2: memref<640x128xf32, #tpu.memory_space<vmem>>, %arg3: memref<640x1xf32, #tpu.memory_space<vmem>>, %arg4: memref<640x128xf32, #tpu.memory_space<vmem>>) attributes {dimension_semantics = [#tpu.dimension_semantics<arbitrary>], iteration_bounds = array<i64: 16>, scalar_prefetch = 0 : i64, scratch_operands = 0 : i64, tpu.core_type = #tpu.core_type<tc>, window_params = [{transform_indices = @transform_0, window_bounds = array<i64: 2, 640, 128>}, {transform_indices = @transform_1, window_bounds = array<i64: 640, 128>}, {transform_indices = @transform_2, window_bounds = array<i64: 640, 1>}, {transform_indices = @transform_3, window_bounds = array<i64: 640, 128>}]} {
    %get3A = arith.constant 0 : index
    %get3A_0 = arith.constant 0 : index
    %get3A_1 = arith.constant 0 : index
    %get3A_2 = vector.load %arg1[%get3A, %get3A_0, %get3A_1] : memref<2x640x128xf32, #tpu.memory_space<vmem>>, vector<1x640x128xf32>
    %get3A_3 = vector.shape_cast %get3A_2 : vector<1x640x128xf32> to vector<640x128xf32>
    %slice3A = vector.extract_strided_slice %get3A_3 {offsets = [0, 0], sizes = [640, 1], strides = [1, 1]} : vector<640x128xf32> to vector<640x1xf32>
    %get3A_4 = arith.constant 1 : index
    %get3A_5 = arith.constant 0 : index
    %get3A_6 = arith.constant 0 : index
    %get3A_7 = vector.load %arg1[%get3A_4, %get3A_5, %get3A_6] : memref<2x640x128xf32, #tpu.memory_space<vmem>>, vector<1x640x128xf32>
    %get3A_8 = vector.shape_cast %get3A_7 : vector<1x640x128xf32> to vector<640x128xf32>
    %slice3A_9 = vector.extract_strided_slice %get3A_8 {offsets = [0, 0], sizes = [640, 1], strides = [1, 1]} : vector<640x128xf32> to vector<640x1xf32>
    %add3A = arith.addf %slice3A, %slice3A_9 : vector<640x1xf32>
    %add3A_10 = arith.constant 1.000000e+00 : f32
    %add3A_11 = vector.broadcast %add3A_10 : f32 to vector<640x1xf32>
    %add3A_12 = arith.addf %add3A, %add3A_11 : vector<640x1xf32>
    %max3A = arith.constant 1.000000e+00 : f32
    %max3A_13 = vector.broadcast %max3A : f32 to vector<640x1xf32>
    %max3A_14 = arith.maximumf %add3A_12, %max3A_13 : vector<640x1xf32>
    %rsqrt3A = math.rsqrt %max3A_14 : vector<640x1xf32>
    %swap3A = arith.constant 0 : index
    %swap3A_15 = arith.constant 0 : index
    %swap3A_16 = vector.load %arg3[%swap3A, %swap3A_15] : memref<640x1xf32, #tpu.memory_space<vmem>>, vector<640x1xf32>
    tpu.vector_store %arg3[%swap3A, %swap3A_15], %rsqrt3A {strides = array<i32>} : memref<640x1xf32, #tpu.memory_space<vmem>>, vector<640x1xf32>,
    %get3A_17 = arith.constant 0 : index
    %get3A_18 = arith.constant 0 : index
    %get3A_19 = vector.load %arg2[%get3A_17, %get3A_18] : memref<640x128xf32, #tpu.memory_space<vmem>>, vector<640x128xf32>
    %mul3A = vector.broadcast %rsqrt3A : vector<640x1xf32> to vector<640x128xf32>
    %mul3A_20 = arith.mulf %mul3A, %get3A_19 : vector<640x128xf32>
    %swap3A_21 = arith.constant 0 : index
    %swap3A_22 = arith.constant 0 : index
    %swap3A_23 = vector.load %arg4[%swap3A_21, %swap3A_22] : memref<640x128xf32, #tpu.memory_space<vmem>>, vector<640x128xf32>
    tpu.vector_store %arg4[%swap3A_21, %swap3A_22], %mul3A_20 {strides = array<i32>} : memref<640x128xf32, #tpu.memory_space<vmem>>, vector<640x128xf32>,
    return
  }
  func.func @transform_0(%arg0: i32) -> (i32, i32, i32) {
    %c0_i32 = arith.constant 0 : i32
    %c0_i32_0 = arith.constant 0 : i32
    %c0_i32_1 = arith.constant 0 : i32
    return %c0_i32, %arg0, %c0_i32_0 : i32, i32, i32
  }
  func.func @transform_1(%arg0: i32) -> (i32, i32) {
    %c0_i32 = arith.constant 0 : i32
    %c0_i32_0 = arith.constant 0 : i32
    return %arg0, %c0_i32 : i32, i32
  }
  func.func @transform_2(%arg0: i32) -> (i32, i32) {
    %c0_i32 = arith.constant 0 : i32
    %c0_i32_0 = arith.constant 0 : i32
    return %arg0, %c0_i32 : i32, i32
  }
  func.func @transform_3(%arg0: i32) -> (i32, i32) {
    %c0_i32 = arith.constant 0 : i32
    %c0_i32_0 = arith.constant 0 : i32
    return %arg0, %c0_i32 : i32, i32
  }
}

module attributes {stable_mosaic.version = 14 : i64} {
  func.func @body(%arg0: i32, %arg1: memref<2x640x128xf32, #tpu.memory_space<vmem>>, %arg2: memref<640x128xf32, #tpu.memory_space<vmem>>, %arg3: memref<640x1xf32, #tpu.memory_space<vmem>>, %arg4: memref<128x256xf32, #tpu.memory_space<vmem>>, %arg5: memref<1x256xf32, #tpu.memory_space<vmem>>, %arg6: memref<2x640x128xf32, #tpu.memory_space<vmem>>) attributes {dimension_semantics = [#tpu.dimension_semantics<arbitrary>], iteration_bounds = array<i64: 16>, scalar_prefetch = 0 : i64, scratch_operands = 0 : i64, tpu.core_type = #tpu.core_type<tc>, window_params = [{transform_indices = @transform_0, window_bounds = array<i64: 2, 640, 128>}, {transform_indices = @transform_1, window_bounds = array<i64: 640, 128>}, {transform_indices = @transform_2, window_bounds = array<i64: 640, 1>}, {pipeline_mode = #tpu.pipeline_mode<synchronous>, transform_indices = @transform_3, window_bounds = array<i64: 128, 256>}, {pipeline_mode = #tpu.pipeline_mode<synchronous>, transform_indices = @transform_4, window_bounds = array<i64: 1, 256>}, {transform_indices = @transform_5, window_bounds = array<i64: 2, 640, 128>}]} {
    %get3A = arith.constant 0 : index
    %get3A_0 = arith.constant 0 : index
    %get3A_1 = vector.load %arg3[%get3A, %get3A_0] : memref<640x1xf32, #tpu.memory_space<vmem>>, vector<640x1xf32>
    %get3A_2 = arith.constant 0 : index
    %get3A_3 = arith.constant 0 : index
    %get3A_4 = arith.constant 0 : index
    %get3A_5 = vector.load %arg1[%get3A_2, %get3A_3, %get3A_4] : memref<2x640x128xf32, #tpu.memory_space<vmem>>, vector<1x640x128xf32>
    %get3A_6 = vector.shape_cast %get3A_5 : vector<1x640x128xf32> to vector<640x128xf32>
    %get3A_7 = arith.constant 1 : index
    %get3A_8 = arith.constant 0 : index
    %get3A_9 = arith.constant 0 : index
    %get3A_10 = vector.load %arg1[%get3A_7, %get3A_8, %get3A_9] : memref<2x640x128xf32, #tpu.memory_space<vmem>>, vector<1x640x128xf32>
    %get3A_11 = vector.shape_cast %get3A_10 : vector<1x640x128xf32> to vector<640x128xf32>
    %add3A = arith.addf %get3A_6, %get3A_11 : vector<640x128xf32>
    %get3A_12 = arith.constant 0 : index
    %get3A_13 = arith.constant 0 : index
    %get3A_14 = vector.load %arg2[%get3A_12, %get3A_13] : memref<640x128xf32, #tpu.memory_space<vmem>>, vector<640x128xf32>
    %add3A_15 = arith.addf %add3A, %get3A_14 : vector<640x128xf32>
    %mul3A = vector.broadcast %get3A_1 : vector<640x1xf32> to vector<640x128xf32>
    %mul3A_16 = arith.mulf %mul3A, %add3A_15 : vector<640x128xf32>
    %get3A_17 = arith.constant 0 : index
    %get3A_18 = arith.constant 0 : index
    %get3A_19 = vector.load %arg4[%get3A_17, %get3A_18] : memref<128x256xf32, #tpu.memory_space<vmem>>, vector<128x256xf32>
    %dot_general3A = arith.constant dense<0.000000e+00> : vector<640x256xf32>
    %dot_general3A_20 = tpu.matmul %mul3A_16, %get3A_19, %dot_general3A {dimension_numbers = #tpu.dot_dimension_numbers<[1], [0], [0], [1], [0, 0, 1, 1], [], []>, transpose_lhs_hint = false} : vector<640x128xf32>, vector<128x256xf32>, vector<640x256xf32> -> vector<640x256xf32>
    %get3A_21 = arith.constant 0 : index
    %get3A_22 = arith.constant 0 : index
    %get3A_23 = vector.load %arg5[%get3A_21, %get3A_22] : memref<1x256xf32, #tpu.memory_space<vmem>>, vector<1x256xf32>
    %add3A_24 = vector.broadcast %get3A_23 : vector<1x256xf32> to vector<640x256xf32>
    %add3A_25 = arith.addf %dot_general3A_20, %add3A_24 : vector<640x256xf32>
    %max3A = arith.constant 0.000000e+00 : f32
    %max3A_26 = vector.broadcast %max3A : f32 to vector<640x256xf32>
    %max3A_27 = arith.maximumf %add3A_25, %max3A_26 : vector<640x256xf32>
    %mul3A_28 = vector.broadcast %get3A_1 : vector<640x1xf32> to vector<640x256xf32>
    %mul3A_29 = arith.mulf %mul3A_28, %max3A_27 : vector<640x256xf32>
    %mul3A_30 = arith.constant 640 : i32
    %mul3A_31 = arith.muli %arg0, %mul3A_30 : i32
    %iota3A = tpu.iota {dimensions = array<i32: 0>} : vector<640x1xi32>
    %add3A_32 = vector.broadcast %mul3A_31 : i32 to vector<640x1xi32>
    %add3A_33 = arith.addi %add3A_32, %iota3A : vector<640x1xi32>
    %lt3A = arith.constant 10000 : i32
    %lt3A_34 = vector.broadcast %lt3A : i32 to vector<640x1xi32>
    %lt3A_35 = arith.cmpi slt, %add3A_33, %lt3A_34 : vector<640x1xi32>
    %jit3A = arith.constant 0.000000e+00 : f32
    %broadcast_in_dim3A = vector.shape_cast %lt3A_35 : vector<640x1xi1> to vector<640x1xi1>
    %broadcast_in_dim3A_36 = vector.broadcast %broadcast_in_dim3A : vector<640x1xi1> to vector<640x256xi1>
    %broadcast_in_dim3A_37 = vector.broadcast %jit3A : f32 to vector<640x256xf32>
    %select_n3A = arith.select %broadcast_in_dim3A_36, %mul3A_29, %broadcast_in_dim3A_37 : vector<640x256xi1>, vector<640x256xf32>
    %slice3A = vector.extract_strided_slice %select_n3A {offsets = [0, 0], sizes = [640, 128], strides = [1, 1]} : vector<640x256xf32> to vector<640x128xf32>
    %swap3A = arith.constant 0 : index
    %swap3A_38 = arith.constant 0 : index
    %swap3A_39 = arith.constant 0 : index
    %swap3A_40 = vector.load %arg6[%swap3A, %swap3A_38, %swap3A_39] : memref<2x640x128xf32, #tpu.memory_space<vmem>>, vector<1x640x128xf32>
    %swap3A_41 = vector.shape_cast %swap3A_40 : vector<1x640x128xf32> to vector<640x128xf32>
    %swap3A_42 = vector.shape_cast %slice3A : vector<640x128xf32> to vector<1x640x128xf32>
    tpu.vector_store %arg6[%swap3A, %swap3A_38, %swap3A_39], %swap3A_42 {strides = array<i32>} : memref<2x640x128xf32, #tpu.memory_space<vmem>>, vector<1x640x128xf32>,
    %slice3A_43 = vector.extract_strided_slice %select_n3A {offsets = [0, 128], sizes = [640, 128], strides = [1, 1]} : vector<640x256xf32> to vector<640x128xf32>
    %swap3A_44 = arith.constant 1 : index
    %swap3A_45 = arith.constant 0 : index
    %swap3A_46 = arith.constant 0 : index
    %swap3A_47 = vector.load %arg6[%swap3A_44, %swap3A_45, %swap3A_46] : memref<2x640x128xf32, #tpu.memory_space<vmem>>, vector<1x640x128xf32>
    %swap3A_48 = vector.shape_cast %swap3A_47 : vector<1x640x128xf32> to vector<640x128xf32>
    %swap3A_49 = vector.shape_cast %slice3A_43 : vector<640x128xf32> to vector<1x640x128xf32>
    tpu.vector_store %arg6[%swap3A_44, %swap3A_45, %swap3A_46], %swap3A_49 {strides = array<i32>} : memref<2x640x128xf32, #tpu.memory_space<vmem>>, vector<1x640x128xf32>,
    return
  }
  func.func @transform_0(%arg0: i32) -> (i32, i32, i32) {
    %c0_i32 = arith.constant 0 : i32
    %c0_i32_0 = arith.constant 0 : i32
    %c0_i32_1 = arith.constant 0 : i32
    return %c0_i32, %arg0, %c0_i32_0 : i32, i32, i32
  }
  func.func @transform_1(%arg0: i32) -> (i32, i32) {
    %c0_i32 = arith.constant 0 : i32
    %c0_i32_0 = arith.constant 0 : i32
    return %arg0, %c0_i32 : i32, i32
  }
  func.func @transform_2(%arg0: i32) -> (i32, i32) {
    %c0_i32 = arith.constant 0 : i32
    %c0_i32_0 = arith.constant 0 : i32
    return %arg0, %c0_i32 : i32, i32
  }
  func.func @transform_3(%arg0: i32) -> (i32, i32) {
    %c0_i32 = arith.constant 0 : i32
    %c0_i32_0 = arith.constant 0 : i32
    %c0_i32_1 = arith.constant 0 : i32
    return %c0_i32, %c0_i32_0 : i32, i32
  }
  func.func @transform_4(%arg0: i32) -> (i32, i32) {
    %c0_i32 = arith.constant 0 : i32
    %c0_i32_0 = arith.constant 0 : i32
    %c0_i32_1 = arith.constant 0 : i32
    return %c0_i32, %c0_i32_0 : i32, i32
  }
  func.func @transform_5(%arg0: i32) -> (i32, i32, i32) {
    %c0_i32 = arith.constant 0 : i32
    %c0_i32_0 = arith.constant 0 : i32
    %c0_i32_1 = arith.constant 0 : i32
    return %c0_i32, %arg0, %c0_i32_0 : i32, i32, i32
  }
}

module attributes {stable_mosaic.version = 14 : i64} {
  func.func @body(%arg0: i32, %arg1: memref<2x640x128xf32, #tpu.memory_space<vmem>>, %arg2: memref<2x640x128xf32, #tpu.memory_space<vmem>>, %arg3: memref<640x1xf32, #tpu.memory_space<vmem>>, %arg4: memref<2x128x128xf32, #tpu.memory_space<vmem>>, %arg5: memref<1x128xf32, #tpu.memory_space<vmem>>, %arg6: memref<2x128x128xf32, #tpu.memory_space<vmem>>, %arg7: memref<1x128xf32, #tpu.memory_space<vmem>>, %arg8: memref<640x128xf32, #tpu.memory_space<vmem>>, %arg9: memref<640x128xf32, #tpu.memory_space<vmem>>) attributes {dimension_semantics = [#tpu.dimension_semantics<arbitrary>], iteration_bounds = array<i64: 16>, scalar_prefetch = 0 : i64, scratch_operands = 0 : i64, tpu.core_type = #tpu.core_type<tc>, window_params = [{transform_indices = @transform_0, window_bounds = array<i64: 2, 640, 128>}, {transform_indices = @transform_1, window_bounds = array<i64: 2, 640, 128>}, {transform_indices = @transform_2, window_bounds = array<i64: 640, 1>}, {pipeline_mode = #tpu.pipeline_mode<synchronous>, transform_indices = @transform_3, window_bounds = array<i64: 2, 128, 128>}, {pipeline_mode = #tpu.pipeline_mode<synchronous>, transform_indices = @transform_4, window_bounds = array<i64: 1, 128>}, {pipeline_mode = #tpu.pipeline_mode<synchronous>, transform_indices = @transform_5, window_bounds = array<i64: 2, 128, 128>}, {pipeline_mode = #tpu.pipeline_mode<synchronous>, transform_indices = @transform_6, window_bounds = array<i64: 1, 128>}, {transform_indices = @transform_7, window_bounds = array<i64: 640, 128>}, {transform_indices = @transform_8, window_bounds = array<i64: 640, 128>}]} {
    %get3A = arith.constant 0 : index
    %get3A_0 = arith.constant 0 : index
    %get3A_1 = vector.load %arg3[%get3A, %get3A_0] : memref<640x1xf32, #tpu.memory_space<vmem>>, vector<640x1xf32>
    %get3A_2 = arith.constant 0 : index
    %get3A_3 = arith.constant 0 : index
    %get3A_4 = arith.constant 0 : index
    %get3A_5 = vector.load %arg1[%get3A_2, %get3A_3, %get3A_4] : memref<2x640x128xf32, #tpu.memory_space<vmem>>, vector<1x640x128xf32>
    %get3A_6 = vector.shape_cast %get3A_5 : vector<1x640x128xf32> to vector<640x128xf32>
    %get3A_7 = arith.constant 0 : index
    %get3A_8 = arith.constant 0 : index
    %get3A_9 = arith.constant 0 : index
    %get3A_10 = vector.load %arg2[%get3A_7, %get3A_8, %get3A_9] : memref<2x640x128xf32, #tpu.memory_space<vmem>>, vector<1x640x128xf32>
    %get3A_11 = vector.shape_cast %get3A_10 : vector<1x640x128xf32> to vector<640x128xf32>
    %add3A = arith.addf %get3A_6, %get3A_11 : vector<640x128xf32>
    %mul3A = vector.broadcast %get3A_1 : vector<640x1xf32> to vector<640x128xf32>
    %mul3A_12 = arith.mulf %mul3A, %add3A : vector<640x128xf32>
    %get3A_13 = arith.constant 1 : index
    %get3A_14 = arith.constant 0 : index
    %get3A_15 = arith.constant 0 : index
    %get3A_16 = vector.load %arg1[%get3A_13, %get3A_14, %get3A_15] : memref<2x640x128xf32, #tpu.memory_space<vmem>>, vector<1x640x128xf32>
    %get3A_17 = vector.shape_cast %get3A_16 : vector<1x640x128xf32> to vector<640x128xf32>
    %get3A_18 = arith.constant 1 : index
    %get3A_19 = arith.constant 0 : index
    %get3A_20 = arith.constant 0 : index
    %get3A_21 = vector.load %arg2[%get3A_18, %get3A_19, %get3A_20] : memref<2x640x128xf32, #tpu.memory_space<vmem>>, vector<1x640x128xf32>
    %get3A_22 = vector.shape_cast %get3A_21 : vector<1x640x128xf32> to vector<640x128xf32>
    %add3A_23 = arith.addf %get3A_17, %get3A_22 : vector<640x128xf32>
    %mul3A_24 = vector.broadcast %get3A_1 : vector<640x1xf32> to vector<640x128xf32>
    %mul3A_25 = arith.mulf %mul3A_24, %add3A_23 : vector<640x128xf32>
    %get3A_26 = arith.constant 0 : index
    %get3A_27 = arith.constant 0 : index
    %get3A_28 = arith.constant 0 : index
    %get3A_29 = vector.load %arg4[%get3A_26, %get3A_27, %get3A_28] : memref<2x128x128xf32, #tpu.memory_space<vmem>>, vector<1x128x128xf32>
    %get3A_30 = vector.shape_cast %get3A_29 : vector<1x128x128xf32> to vector<128x128xf32>
    %dot_general3A = arith.constant dense<0.000000e+00> : vector<640x128xf32>
    %dot_general3A_31 = tpu.matmul %mul3A_12, %get3A_30, %dot_general3A {dimension_numbers = #tpu.dot_dimension_numbers<[1], [0], [0], [1], [0, 0, 1, 1], [], []>, transpose_lhs_hint = false} : vector<640x128xf32>, vector<128x128xf32>, vector<640x128xf32> -> vector<640x128xf32>
    %get3A_32 = arith.constant 1 : index
    %get3A_33 = arith.constant 0 : index
    %get3A_34 = arith.constant 0 : index
    %get3A_35 = vector.load %arg4[%get3A_32, %get3A_33, %get3A_34] : memref<2x128x128xf32, #tpu.memory_space<vmem>>, vector<1x128x128xf32>
    %get3A_36 = vector.shape_cast %get3A_35 : vector<1x128x128xf32> to vector<128x128xf32>
    %dot_general3A_37 = arith.constant dense<0.000000e+00> : vector<640x128xf32>
    %dot_general3A_38 = tpu.matmul %mul3A_25, %get3A_36, %dot_general3A_37 {dimension_numbers = #tpu.dot_dimension_numbers<[1], [0], [0], [1], [0, 0, 1, 1], [], []>, transpose_lhs_hint = false} : vector<640x128xf32>, vector<128x128xf32>, vector<640x128xf32> -> vector<640x128xf32>
    %add3A_39 = arith.addf %dot_general3A_31, %dot_general3A_38 : vector<640x128xf32>
    %get3A_40 = arith.constant 0 : index
    %get3A_41 = arith.constant 0 : index
    %get3A_42 = vector.load %arg5[%get3A_40, %get3A_41] : memref<1x128xf32, #tpu.memory_space<vmem>>, vector<1x128xf32>
    %add3A_43 = vector.broadcast %get3A_42 : vector<1x128xf32> to vector<640x128xf32>
    %add3A_44 = arith.addf %add3A_39, %add3A_43 : vector<640x128xf32>
    %swap3A = arith.constant 0 : index
    %swap3A_45 = arith.constant 0 : index
    %swap3A_46 = vector.load %arg8[%swap3A, %swap3A_45] : memref<640x128xf32, #tpu.memory_space<vmem>>, vector<640x128xf32>
    tpu.vector_store %arg8[%swap3A, %swap3A_45], %add3A_44 {strides = array<i32>} : memref<640x128xf32, #tpu.memory_space<vmem>>, vector<640x128xf32>,
    %get3A_47 = arith.constant 0 : index
    %get3A_48 = arith.constant 0 : index
    %get3A_49 = arith.constant 0 : index
    %get3A_50 = vector.load %arg6[%get3A_47, %get3A_48, %get3A_49] : memref<2x128x128xf32, #tpu.memory_space<vmem>>, vector<1x128x128xf32>
    %get3A_51 = vector.shape_cast %get3A_50 : vector<1x128x128xf32> to vector<128x128xf32>
    %dot_general3A_52 = arith.constant dense<0.000000e+00> : vector<640x128xf32>
    %dot_general3A_53 = tpu.matmul %mul3A_12, %get3A_51, %dot_general3A_52 {dimension_numbers = #tpu.dot_dimension_numbers<[1], [0], [0], [1], [0, 0, 1, 1], [], []>, transpose_lhs_hint = false} : vector<640x128xf32>, vector<128x128xf32>, vector<640x128xf32> -> vector<640x128xf32>
    %get3A_54 = arith.constant 1 : index
    %get3A_55 = arith.constant 0 : index
    %get3A_56 = arith.constant 0 : index
    %get3A_57 = vector.load %arg6[%get3A_54, %get3A_55, %get3A_56] : memref<2x128x128xf32, #tpu.memory_space<vmem>>, vector<1x128x128xf32>
    %get3A_58 = vector.shape_cast %get3A_57 : vector<1x128x128xf32> to vector<128x128xf32>
    %dot_general3A_59 = arith.constant dense<0.000000e+00> : vector<640x128xf32>
    %dot_general3A_60 = tpu.matmul %mul3A_25, %get3A_58, %dot_general3A_59 {dimension_numbers = #tpu.dot_dimension_numbers<[1], [0], [0], [1], [0, 0, 1, 1], [], []>, transpose_lhs_hint = false} : vector<640x128xf32>, vector<128x128xf32>, vector<640x128xf32> -> vector<640x128xf32>
    %add3A_61 = arith.addf %dot_general3A_53, %dot_general3A_60 : vector<640x128xf32>
    %get3A_62 = arith.constant 0 : index
    %get3A_63 = arith.constant 0 : index
    %get3A_64 = vector.load %arg7[%get3A_62, %get3A_63] : memref<1x128xf32, #tpu.memory_space<vmem>>, vector<1x128xf32>
    %add3A_65 = vector.broadcast %get3A_64 : vector<1x128xf32> to vector<640x128xf32>
    %add3A_66 = arith.addf %add3A_61, %add3A_65 : vector<640x128xf32>
    %swap3A_67 = arith.constant 0 : index
    %swap3A_68 = arith.constant 0 : index
    %swap3A_69 = vector.load %arg9[%swap3A_67, %swap3A_68] : memref<640x128xf32, #tpu.memory_space<vmem>>, vector<640x128xf32>
    tpu.vector_store %arg9[%swap3A_67, %swap3A_68], %add3A_66 {strides = array<i32>} : memref<640x128xf32, #tpu.memory_space<vmem>>, vector<640x128xf32>,
    return
  }
  func.func @transform_0(%arg0: i32) -> (i32, i32, i32) {
    %c0_i32 = arith.constant 0 : i32
    %c0_i32_0 = arith.constant 0 : i32
    %c0_i32_1 = arith.constant 0 : i32
    return %c0_i32, %arg0, %c0_i32_0 : i32, i32, i32
  }
  func.func @transform_1(%arg0: i32) -> (i32, i32, i32) {
    %c0_i32 = arith.constant 0 : i32
    %c0_i32_0 = arith.constant 0 : i32
    %c0_i32_1 = arith.constant 0 : i32
    return %c0_i32, %arg0, %c0_i32_0 : i32, i32, i32
  }
  func.func @transform_2(%arg0: i32) -> (i32, i32) {
    %c0_i32 = arith.constant 0 : i32
    %c0_i32_0 = arith.constant 0 : i32
    return %arg0, %c0_i32 : i32, i32
  }
  func.func @transform_3(%arg0: i32) -> (i32, i32, i32) {
    %c0_i32 = arith.constant 0 : i32
    %c0_i32_0 = arith.constant 0 : i32
    %c0_i32_1 = arith.constant 0 : i32
    %c0_i32_2 = arith.constant 0 : i32
    return %c0_i32, %c0_i32_0, %c0_i32_1 : i32, i32, i32
  }
  func.func @transform_4(%arg0: i32) -> (i32, i32) {
    %c0_i32 = arith.constant 0 : i32
    %c0_i32_0 = arith.constant 0 : i32
    %c0_i32_1 = arith.constant 0 : i32
    return %c0_i32, %c0_i32_0 : i32, i32
  }
  func.func @transform_5(%arg0: i32) -> (i32, i32, i32) {
    %c0_i32 = arith.constant 0 : i32
    %c0_i32_0 = arith.constant 0 : i32
    %c0_i32_1 = arith.constant 0 : i32
    %c0_i32_2 = arith.constant 0 : i32
    return %c0_i32, %c0_i32_0, %c0_i32_1 : i32, i32, i32
  }
  func.func @transform_6(%arg0: i32) -> (i32, i32) {
    %c0_i32 = arith.constant 0 : i32
    %c0_i32_0 = arith.constant 0 : i32
    %c0_i32_1 = arith.constant 0 : i32
    return %c0_i32, %c0_i32_0 : i32, i32
  }
  func.func @transform_7(%arg0: i32) -> (i32, i32) {
    %c0_i32 = arith.constant 0 : i32
    %c0_i32_0 = arith.constant 0 : i32
    return %arg0, %c0_i32 : i32, i32
  }
  func.func @transform_8(%arg0: i32) -> (i32, i32) {
    %c0_i32 = arith.constant 0 : i32
    %c0_i32_0 = arith.constant 0 : i32
    return %arg0, %c0_i32 : i32, i32
  }
}

</mosaic_0001>

<sc_bundles>
// kernel: kernel.11.cloned.1.call-start
scs
__scs_entry_jumppad:
0x0: {  	(pc) =	sbr.rel $0x88, $3  }
0x1: {  	(tag) =	ssettag $0x0;
	lr =	simm.s32 $0x1  }
0x2: {  	[smem:$0x3F99] =	sst lr;
	_ =	strace $0xD0000000  }
0x3: {  	_ = 	snop  }
0x4: {  	_ = 	snop  }
0x5: {  	_ = 	snop  }
0x6: {  	_ = 	snop  }
0x7: {  	_ = 	snop  }
__scs_overlays_trampoline_lowered:
0x8: {  	[smem:$0x3FA8] =	sst s0  }
0x9: {  	[smem:$0x3FA9] =	sst s1  }
0xa: {  	[smem:$0x3FAA] =	sst s2  }
0xb: {  	[smem:$0x3FAB] =	sst s3  }
0xc: {  	[smem:$0x3FAC] =	sst s4  }
0xd: {  	[smem:$0x3FAD] =	sst s5  }
0xe: {  	[smem:$0x3FAE] =	sst s6  }
0xf: {  	[smem:$0x3FAF] =	sst s7  }
0x10: {  	[smem:$0x3FB0] =	sst s8  }
0x11: {  	[smem:$0x3FB1] =	sst s9;
	s0 =	simm.s32 @!p0 $0x0  }
0x12: {  	s1 =	sld [smem:$0x3F97];
	s0 =	simm.s32 @p0 $0x1  }
0x13: {  	[smem:$0x3FB2] =	sst s0;
	s0 =	simm.s32 @!p1 $0x0  }
0x14: {  	s2 =	sld [smem:$0x3F96];
	s0 =	simm.s32 @p1 $0x1  }
0x15: {  	[smem:$0x3FB3] =	sst s0;
	s0 =	simm.s32 @!p2 $0x0  }
0x16: {  	s3 =	sld [smem:$0x3FDB];
	s0 =	simm.s32 @p2 $0x1  }
0x17: {  	s4 =	simm.s32 $0x1BF5;
	[smem:$0x3FB5] =	sst s0  }
0x18: {  	s0 =	sld [smem:$0x3F98];
	_ =	swait.ge [sflag:s4], $0x0  }
0x19: {  	s7 =	sld [smem:$0x3F99]  }
0x1a: {  	s8 =	sadd.s32 $0xFFFFE003, lr  }
0x1b: {  	s9 =	sadd.s32 $0xFFFFFEF7, lr;
	s5 =	simm.s32 $0xFFFFFFFF;
	p2 =	slt.u32 s8, $0xFFFFF086  }
0x1c: {  	p1 =	slt.u32 s9, $0xF7A;
	s5 =	simm.s32 @!p2 $0x0  }
0x1d: {  	s5 =	simm.s32 @p1 $0x1;
	p0 =	seq.s32 s7, s2  }
0x1e: {  	s7 =	smul.u32 @!p0 $0xF7A, s2;
	p2 =	seq.s32 @!p0 s5, $0x0  }
0x1f: {  	s9 =	smul.u32 $0xF7A, s1;
	s8 =	simm.s32 @!p0 $0x1BF5;
	p2 =	por !p2, p0  }
0x20: {  	[sflag:s8] =	ssyncset.s32 @!p0 $0xFFFFF086;
	s6 =	sadd.s32 @!p0 s3, s7;
	s7 =	simm.s32 @!p0 $0x108  }
0x21: {  	s3 =	sadd.s32 s3, s9;
	s6 =	sadd.s32 @!p0 $0x88, s6;
	s7 =	simm.s32 @p2 $0x1082  }
0x22: {  	[simem:s7], [sflag:s8] =	dma.local @!p0 [hbm:s6], $0xF7A  }
0x23: {  	s9 =	sor.u32 $0xD0000000, s2;
	s6 =	simm.s32 $0x108;
	_ =	swait.ge @!p0 [sflag:s8], $0x0  }
0x24: {  	s3 =	sadd.s32 $0x88, s3;
	s6 =	simm.s32 @!p1 $0x1082;
	[sflag:s4] =	ssyncset.s32 $0xFFFFF086  }
0x25: {  	[simem:s6], [sflag:s4] =	dma.local [hbm:s3], $0xF7A  }
0x26: {  	[smem:$0x3F99] =	sst s1;
	(tag) =	ssettag s2;
	_ =	strace s9  }
0x27: {  	s1 =	sld [smem:$0x3FA9]  }
0x28: {  	s2 =	sld [smem:$0x3FAA]  }
0x29: {  	s4 =	sld [smem:$0x3FAC]  }
0x2a: {  	p0 =	seq.s32 s5, $0x0;
	s5 =	sld [smem:$0x3FAD]  }
0x2b: {  	s6 =	sld [smem:$0x3FAE]  }
0x2c: {  	s7 =	sld [smem:$0x3FAF]  }
0x2d: {  	s3 =	simm.s32 $0x108;
	s8 =	sld [smem:$0x3FB0]  }
0x2e: {  	s3 =	simm.s32 @!p0 $0x1082;
	s9 =	sld [smem:$0x3FB1]  }
0x2f: {  	lr =	sadd.s32 s0, s3;
	s0 =	sld [smem:$0x3FA8]  }
0x30: {  	s3 =	sld [smem:$0x3FAB]  }
0x31: {  	[smem:$0x3FB4] =	sst s10  }
0x32: {  	s10 =	sld [smem:$0x3FB2];
	_ =	sdelay $0x3  }
0x33: {  	p0 =	seq.s32 s10, $0x1;
	s10 =	sld [smem:$0x3FB4];
	_ =	sdelay $0x3  }
0x34: {  	[smem:$0x3FB4] =	sst s10  }
0x35: {  	s10 =	sld [smem:$0x3FB3];
	_ =	sdelay $0x3  }
0x36: {  	p1 =	seq.s32 s10, $0x1;
	s10 =	sld [smem:$0x3FB4];
	_ =	sdelay $0x3  }
0x37: {  	[smem:$0x3FB4] =	sst s10  }
0x38: {  	s10 =	sld [smem:$0x3FB5]  }
0x39: {  	_ = 	snop;
	(pc) =	sbr.ind lr, $3  }
0x3a: {  	_ = 	snop  }
0x3b: {  	_ = 	snop  }
0x3c: {  	p2 =	seq.s32 s10, $0x1;
	s10 =	sld [smem:$0x3FB4]  }
0x3d: {  	_ =	shalt  }
0x3e: {  	_ =	shalt  }
0x3f: {  	_ =	shalt  }
0x40: {  	_ =	shalt  }
0x41: {  	_ =	shalt  }
0x42: {  	_ =	shalt  }
0x43: {  	_ =	shalt  }
0x44: {  	_ =	shalt  }
0x45: {  	_ =	shalt  }
0x46: {  	_ =	shalt  }
0x47: {  	_ =	shalt  }
0x48: {  	_ =	shalt  }
0x49: {  	_ =	shalt  }
0x4a: {  	_ =	shalt  }
0x4b: {  	_ =	shalt  }
0x4c: {  	_ =	shalt  }
0x4d: {  	_ =	shalt  }
0x4e: {  	_ =	shalt  }
0x4f: {  	_ =	shalt  }
0x50: {  	_ =	shalt  }
0x51: {  	_ =	shalt  }
0x52: {  	_ =	shalt  }
0x53: {  	_ =	shalt  }
0x54: {  	_ =	shalt  }
0x55: {  	_ =	shalt  }
0x56: {  	_ =	shalt  }
0x57: {  	_ =	shalt  }
0x58: {  	_ =	shalt  }
0x59: {  	_ =	shalt  }
0x5a: {  	_ =	shalt  }
0x5b: {  	_ =	shalt  }
0x5c: {  	_ =	shalt  }
0x5d: {  	_ =	shalt  }
0x5e: {  	_ =	shalt  }
0x5f: {  	_ =	shalt  }
0x60: {  	_ =	shalt  }
0x61: {  	_ =	shalt  }
0x62: {  	_ =	shalt  }
0x63: {  	_ =	shalt  }
0x64: {  	_ =	shalt  }
0x65: {  	_ =	shalt  }
0x66: {  	_ =	shalt  }
0x67: {  	_ =	shalt  }
0x68: {  	_ =	shalt  }
0x69: {  	_ =	shalt  }
0x6a: {  	_ =	shalt  }
0x6b: {  	_ =	shalt  }
0x6c: {  	_ =	shalt  }
0x6d: {  	_ =	shalt  }
0x6e: {  	_ =	shalt  }
0x6f: {  	_ =	shalt  }
0x70: {  	_ =	shalt  }
0x71: {  	_ =	shalt  }
0x72: {  	_ =	shalt  }
0x73: {  	_ =	shalt  }
0x74: {  	_ =	shalt  }
0x75: {  	_ =	shalt  }
0x76: {  	_ =	shalt  }
0x77: {  	_ =	shalt  }
0x78: {  	_ =	shalt  }
0x79: {  	_ =	shalt  }
0x7a: {  	_ =	shalt  }
0x7b: {  	_ =	shalt  }
0x7c: {  	_ =	shalt  }
0x7d: {  	_ =	shalt  }
0x7e: {  	_ =	shalt  }
0x7f: {  	_ =	shalt  }
0x80: {  	_ =	shalt  }
0x81: {  	_ =	shalt  }
0x82: {  	_ =	shalt  }
0x83: {  	_ =	shalt  }
0x84: {  	_ =	shalt  }
0x85: {  	_ =	shalt  }
0x86: {  	_ =	shalt  }
0x87: {  	_ =	shalt  }
.Lfunc_end0:
.L_simem_size_0:
called_computation.1_lowered:
.L_overlay_start_0:
0x88: {  	s2 =	sld [smem:$0x3FD9]  }
0x89: {  	s3 =	sld [smem:$0x3FFE];
	_ =	sdelay $0x1  }
0x8a: {  	s1 =	srdreg.scid  }
0x8b: {  	s0 =	sand.u32 $0x1, s1  }
0x8c: {  	s14 =	sshll.u32 s0, $0xA;
	s2 =	sadd.s32 s3, s2  }
0x8d: {  	s2 =	sadd.s32 s2, s14  }
0x8e: {  	[smem:$0x3FC0] =	sst s2  }
0x8f: {  	_ = 	snop  }
0x90: {  	s2 =	sld [smem:$0x3FD0];
	_ =	sdelay $0x2  }
0x91: {  	s15 =	simm.s32 $0xA;
	s4 =	simm.s32 $0x10  }
0x92: {  	[smem:s4], [sflag:s15] =	dma.local [hbm:s2], $0x1  }
0x93: {  	_ =	swait.eq [sflag:s15], $0x1  }
0x94: {  	[sflag:s15] =	ssyncset.done $0x0  }
0x95: {  	[sflag:s15] =	ssyncadd.s32 $0xFFFFFFFF  }
0x96: {  	s16 =	sld [smem:$0x10];
	(tm) =	ssettm $0x1  }
0x97: {  	s17 =	sld [smem:$0x3FFB];
	_ =	sdelay $0x3  }
0x98: {  	_ =	strace s17  }
0x99: {  	s3 =	sld [smem:$0x3FFC];
	_ =	sdelay $0x3  }
0x9a: {  	_ =	strace s3  }
0x9b: {  	s3 =	sld [smem:$0x3FFD];
	_ =	sdelay $0x3  }
0x9c: {  	_ =	strace s3  }
0x9d: {  	_ =	strace $0x8FFFFFFF  }
0x9e: {  	s18 =	sld [smem:$0x3FDB];
	_ =	sdelay $0x1  }
0x9f: {  	s19 =	simm.s32 $_scs_section_size  }
0xa0: {  	s5 =	simm.s32 $_size__tile_overlayer_lowered;
	s6 =	simm.s32 $_tile_overlayer_lowered  }
0xa1: {  	s22 =	simm.s32 $0x1BFF;
	s21 =	sshll.u32 s6, $0x1;
	s3 =	sadd.s32 s19, s18  }
0xa2: {  	s7 =	simm.s32 $0x0;
	s20 =	sshll.u32 s5, $0x1;
	s5 =	sadd.s32 s21, s3  }
0xa3: {  	[timem:s7], [sflag:s22] =	dma.local [hbm:s5], s20  }
0xa4: {  	_ =	swait.ge [sflag:s22], s20  }
0xa5: {  	s4 =	ssub.s32 $0x0, s20;
	[sflag:s22] =	ssyncset.done $0x0  }
0xa6: {  	[sflag:s22] =	ssyncadd.s32 s4;
	_ =	sdelay $0x1  }
0xa7: {  	s23 =	simm.s32 $0x1B8B  }
0xa8: {  	_ =	swait.ge [sflag:s23], $0x1  }
0xa9: {  	[sflag:s23] =	ssyncset.done $0x0  }
0xaa: {  	s25 =	simm.s32 $0x1B8E;
	s24 =	sld [smem:$0x3FFE];
	[sflag:s23] =	ssyncadd.s32 $0xFFFFFFFF  }
0xab: {  	s26 =	simm.s32 $execute0_lowered;
	[smem:$0x3FD2] =	sst s25  }
0xac: {  	s5 =	sshll.u32 s26, $0x1;
	_ =	strace $0x80000049;
	[dreg:$0x1] =	wrdreg $0xFFFFFFFF  }
0xad: {  	s28 =	simm.s32 $_size_execute0_lowered;
	s3 =	sadd.s32 s3, s5;
	[dreg:$0x0] =	wrdreg $0x0  }
0xae: {  	s5 =	sshll.u32 s28, $0x1;
	[dreg:$0x2] =	wrdreg s3  }
0xaf: {  	[dreg:$0x3] =	wrdreg s5  }
0xb0: {  	[dreg:$0x4] =	wrdreg $0xC0  }
0xb1: {  	_ =	task [dreg:s7], $0x5FFFF  }
0xb2: {  	[dreg:$0x1] =	wrdreg $0xFFFFFFFF  }
0xb3: {  	[dreg:$0x0] =	wrdreg $0x60  }
0xb4: {  	[dreg:$0x2] =	wrdreg s24  }
0xb5: {  	[dreg:$0x3] =	wrdreg s16  }
0xb6: {  	[dreg:$0x4] =	wrdreg $0xA8000  }
0xb7: {  	[dreg:$0x5] =	wrdreg $0x9  }
0xb8: {  	_ =	task.clear_ibuf [dreg:s7], $0x6FFFF;
	_ =	strace $0x90000049  }
0xb9: {  	s29 =	simm.s32 $0x9;
	_ =	strace $0x8000004B  }
0xba: {  	_ =	swait.ge [sflag:s29], $0x1  }
0xbb: {  	[sflag:s29] =	ssyncadd.s32 $0xFFFFFFFF  }
0xbc: {  	_ =	strace $0x9000004B  }
0xbd: {  	_ =	sfence  }
0xbe: {  	s30 =	sld [smem:$0x0];
	_ =	sdelay $0x2  }
0xbf: {  	s31 =	sshll.u32 s1, $0xD;
	s1 =	sshrl.u32 s1, $0x2  }
0xc0: {  	s3 =	sand.u32 $0x4000, s31;
	s1 =	sadd.s32 s1, s30  }
0xc1: {  	s0 =	sor.u32 s3, s0;
	s1 =	sshll.u32 s1, $0x11  }
0xc2: {  	s0 =	sor.u32 s1, s0  }
0xc3: {  	s0 =	sadd.s32 $0x8F2B, s0  }
0xc4: {  	[sflag:s0] =	ssyncadd.remote.s32 $0x1  }
0xc5: {  	_ =	sfence.sel $0xFFFF  }
0xc6: {  	[dreg:$0x0] =	wrdreg $0xFFFFFFFF;
	(pc) =	sbr.abs _section_cstart, $3  }
0xc7: {  	[dreg:$0x1] =	wrdreg $0xFFFFFFFF  }
0xc8: {  	_ =	task.clear_ibuf [dreg:s7], $0x2FFFF;
	_ =	strace $0x9FFFFFFF  }
0xc9: {  	(tm) =	ssettm $0x7FFFFFFF  }
tec
execute0_lowered:
.L_overlay_start_1:
0x0: {  	(tag) =	ssettag $0x1  }
0x1: {  	s6 =	rddreg [dreg:$0x0]  }
0x2: {  	s15 =	rddreg [dreg:$0x1];
	s0 =	srdreg.scid  }
0x3: {  	s2 =	rddreg [dreg:$0x2];
	s25 =	stileid.u32;
	s3 =	simm.s32 $0x0  }
0x4: {  	s18 =	simm.s32 $0x3;
	s19 =	simm.s32 $0x1400;
	s20 =	simm.s32 $0x80  }
0x5: {  	s21 =	simm.s32 $0x6800;
	s22 =	simm.s32 $0x1;
	s23 =	simm.s32 $0x2  }
0x6: {  	s24 =	simm.s32 $0x1380;
	s28 =	simm.s32 $0x0;
	s5 =	smul.u32 $0x14000, s25  }
0x7: {  	s7 =	sand.u32 $0x1, s0;
	[smem:$0x7FF] =	sst s3;
	s9 =	smul.u32 $0x50000, s25  }
0x8: {  	s16 =	sadd.s32 $0x2600, s6;
	s4 =	smul.u32 $0x140000, s7;
	_ =	strace $0x8000004A  }
0x9: {  	s26 =	ssub.s32 $0x2, s7;
	s29 =	sshll.u32 s7, $0x4;
	s30 =	sshrl.u32 s9, $0x2  }
0xa: {  	s31 =	sshrl.u32 s26, $0x1;
	s10 =	sor.u32 s25, s29;
	s25 =	simm.s32 $0x2700  }
0xb: {  	s5 =	sadd.s32 s5, s4;
	s4 =	sadd.s32 $0xCE00, s6;
	s12 =	ssub.s32 s26, s31  }
0xc: {  	s14 =	smul.u32 $0x500, s10;
	s26 =	simm.s32 $0x2780;
	s8 =	sshrl.u32 s5, $0x3  }
0xd: {  	s5 =	sadd.s32 $0xC600, s6;
	s12 =	smax.u32 s12, $0x1;
	s11 =	sadd.s32 s8, s6  }
0xe: {  	s6 =	sadd.s32 s30, s2;
	s17 =	sadd.s32 $0x280, s14;
	s13 =	sadd.s32 s15, s14  }
0xf: {  	s14 =	sadd.s32 s16, s14;
	s7 =	sadd.s32 $0x4000, s6;
	s8 =	sadd.s32 $0x8000, s6  }
0x10: {  	s9 =	sadd.s32 $0xC000, s6;
	s10 =	sadd.s32 $0x10000, s6;
	s11 =	sadd.s32 $0x34E00, s11  }
0x11: {  	s15 =	sadd.s32 s15, s17;
	s16 =	sadd.s32 s16, s17;
	s17 =	simm.s32 $0x2800  }
.LBB2_1:
0x12: {  	[tilespmem:s17], [sflag:$0x3] =	stream.linear.gather [hbm4b:s5+s3], $0x4000, $0x38;
	[tilespmem:$0x1E800] =	vst v63  }
0x13: {  	_ =	swait.ge [sflag:s18], $0x4000  }
0x14: {  	[sflag:s18] =	ssyncset.done $0x0  }
0x15: {  	[sflag:s18] =	ssyncadd.s32 $0xFFFFC000  }
0x16: {  	[spmem:s6] =	stream.linear.scatter [tilespmem:s17], [sflag:$0x3], $0x4000, $0x38;
	[tilespmem:$0x1E800] =	vst v63  }
0x17: {  	_ =	swait.ge [sflag:s18], $0x4000  }
0x18: {  	[sflag:s18] =	ssyncset.done $0x0  }
0x19: {  	[sflag:s18] =	ssyncadd.s32 $0xFFFFC000  }
0x1a: {  	[spmem:s7] =	stream.linear.scatter [tilespmem:s17], [sflag:$0x3], $0x4000, $0x38;
	[tilespmem:$0x1E800] =	vst v63  }
0x1b: {  	_ =	swait.ge [sflag:s18], $0x4000  }
0x1c: {  	[sflag:s18] =	ssyncset.done $0x0  }
0x1d: {  	[sflag:s18] =	ssyncadd.s32 $0xFFFFC000  }
0x1e: {  	[spmem:s8] =	stream.linear.scatter [tilespmem:s17], [sflag:$0x3], $0x4000, $0x38;
	[tilespmem:$0x1E800] =	vst v63  }
0x1f: {  	_ =	swait.ge [sflag:s18], $0x4000  }
0x20: {  	[sflag:s18] =	ssyncset.done $0x0  }
0x21: {  	[sflag:s18] =	ssyncadd.s32 $0xFFFFC000  }
0x22: {  	[spmem:s9] =	stream.linear.scatter [tilespmem:s17], [sflag:$0x3], $0x4000, $0x38;
	[tilespmem:$0x1E800] =	vst v63  }
0x23: {  	_ =	swait.ge [sflag:s18], $0x4000  }
0x24: {  	[sflag:s18] =	ssyncset.done $0x0  }
0x25: {  	[sflag:s18] =	ssyncadd.s32 $0xFFFFC000  }
0x26: {  	[spmem:s10] =	stream.linear.scatter [tilespmem:s17], [sflag:$0x3], $0x4000, $0x38;
	[tilespmem:$0x1E800] =	vst v63  }
0x27: {  	_ =	swait.ge [sflag:s18], $0x4000  }
0x28: {  	[sflag:s18] =	ssyncset.done $0x0  }
0x29: {  	[sflag:s18] =	ssyncadd.s32 $0xFFFFC000  }
0x2a: {  	[bflag:$0x0] =	sbarrier.arrive $0xFFFF  }
0x2b: {  	[tilespmem:s3], [sflag:$0x3] =	stream.linear.gather [hbm4b:s13+s3], $0x1400, $0x38;
	[tilespmem:$0x1E800] =	vst v63  }
0x2c: {  	_ =	swait.ge [sflag:s18], $0x1400  }
0x2d: {  	[sflag:s18] =	ssyncset.done $0x0  }
0x2e: {  	[sflag:s18] =	ssyncadd.s32 $0xFFFFEC00  }
0x2f: {  	[tilespmem:s19], [sflag:$0x3] =	stream.linear.gather [hbm4b:s14+s3], $0x1400, $0x38;
	[tilespmem:$0x1E800] =	vst v63  }
0x30: {  	_ =	swait.ge [sflag:s18], $0x1400  }
0x31: {  	[sflag:s18] =	ssyncset.done $0x0  }
0x32: {  	[sflag:s18] =	ssyncadd.s32 $0xFFFFEC00  }
0x33: {  	[tilespmem:s17], [sflag:$0x1] =	stream.indirect.gather [hbm4b:s4+s20], $0x80, s3, s20, $0xb8;
	[tilespmem:$0x1E800] =	vst v63  }
0x34: {  	s29 =	simm.s32 $0x80  }
0x35: {  	[tilespmem:s21], [sflag:$0x2] =	stream.indirect.gather [hbm4b:s4+s20], $0x80, s29, s20, $0xb8;
	[tilespmem:$0x1E800] =	vst v63  }
0x36: {  	_ =	swait.ge [sflag:s22], $0x4000  }
0x37: {  	[sflag:s22] =	ssyncset.done $0x0  }
0x38: {  	s29 =	simm.s32 $0x1400;
	[sflag:s22] =	ssyncadd.s32 $0xFFFFC000  }
0x39: {  	[spmem:s2] =	stream.indirect.scatter.add.f32 [tilespmem:s17], [sflag:$0x3], $0x80, s29, s20, $0xb8;
	[tilespmem:$0x1E800] =	vst v63  }
0x3a: {  	_ =	swait.ge [sflag:s18], $0x4000  }
0x3b: {  	[sflag:s18] =	ssyncset.done $0x0  }
0x3c: {  	s29 =	simm.s32 $0x100;
	[sflag:s18] =	ssyncadd.s32 $0xFFFFC000  }
0x3d: {  	[tilespmem:s17], [sflag:$0x1] =	stream.indirect.gather [hbm4b:s4+s20], $0x80, s29, s20, $0xb8;
	[tilespmem:$0x1E800] =	vst v63  }
0x3e: {  	_ =	swait.ge [sflag:s23], $0x4000  }
0x3f: {  	[sflag:s23] =	ssyncset.done $0x0  }
0x40: {  	s29 =	simm.s32 $0x1480;
	[sflag:s23] =	ssyncadd.s32 $0xFFFFC000  }
0x41: {  	[spmem:s2] =	stream.indirect.scatter.add.f32 [tilespmem:s21], [sflag:$0x3], $0x80, s29, s20, $0xb8;
	[tilespmem:$0x1E800] =	vst v63  }
0x42: {  	_ =	swait.ge [sflag:s18], $0x4000  }
0x43: {  	s30 =	simm.s32 $0x800;
	s29 =	simm.s32 $0x100;
	[sflag:s18] =	ssyncset.done $0x0  }
.LBB2_2:
0x44: {  	s31 =	sadd.s32 $0x80, s29  }
0x45: {  	[sflag:s18] =	ssyncadd.s32 $0xFFFFC000;
	s0 =	smov.u32 s30;
	s1 =	sadd.s32 $0x400, s30  }
0x46: {  	[tilespmem:s21], [sflag:$0x2] =	stream.indirect.gather [hbm4b:s4+s20], $0x80, s31, s20, $0xb8;
	[tilespmem:$0x1E800] =	vst v63  }
0x47: {  	p0 =	sne.s32 s30, $0x4800;
	_ =	swait.ge [sflag:s22], $0x4000  }
0x48: {  	[sflag:s22] =	ssyncset.done $0x0  }
0x49: {  	s30 =	sadd.s32 $0x1400, s29;
	[sflag:s22] =	ssyncadd.s32 $0xFFFFC000  }
0x4a: {  	[spmem:s2] =	stream.indirect.scatter.add.f32 [tilespmem:s17], [sflag:$0x3], $0x80, s30, s20, $0xb8;
	[tilespmem:$0x1E800] =	vst v63  }
0x4b: {  	_ =	swait.ge [sflag:s18], $0x4000  }
0x4c: {  	[sflag:s18] =	ssyncset.done $0x0  }
0x4d: {  	s30 =	sadd.s32 $0x100, s29;
	[sflag:s18] =	ssyncadd.s32 $0xFFFFC000  }
0x4e: {  	[tilespmem:s17], [sflag:$0x1] =	stream.indirect.gather [hbm4b:s4+s20], $0x80, s30, s20, $0xb8;
	[tilespmem:$0x1E800] =	vst v63  }
0x4f: {  	_ =	swait.ge [sflag:s23], $0x4000  }
.Ltmp0:
0x50: {  	[sflag:s23] =	ssyncset.done $0x0;
	(pc) =	sbr.rel @p0 .LBB2_2-.Ltmp0, $4  }
0x51: {  	s29 =	sadd.s32 $0x1480, s29;
	[sflag:s23] =	ssyncadd.s32 $0xFFFFC000  }
0x52: {  	[spmem:s2] =	stream.indirect.scatter.add.f32 [tilespmem:s21], [sflag:$0x3], $0x80, s29, s20, $0xb8;
	[tilespmem:$0x1E800] =	vst v63  }
0x53: {  	_ =	swait.ge [sflag:s18], $0x4000  }
0x54: {  	s30 =	smov.u32 s1;
	s29 =	sshra.s32 s0, $0x2;
	[sflag:s18] =	ssyncset.done $0x0  }
0x55: {  	s0 =	sadd.s32 $0x80, s29;
	[sflag:s18] =	ssyncadd.s32 $0xFFFFC000  }
0x56: {  	[tilespmem:s21], [sflag:$0x2] =	stream.indirect.gather [hbm4b:s4+s20], $0x80, s0, s20, $0xb8;
	[tilespmem:$0x1E800] =	vst v63  }
0x57: {  	_ =	swait.ge [sflag:s22], $0x4000  }
0x58: {  	[sflag:s22] =	ssyncset.done $0x0  }
0x59: {  	s1 =	sadd.s32 $0x1400, s29;
	[sflag:s22] =	ssyncadd.s32 $0xFFFFC000  }
0x5a: {  	[spmem:s2] =	stream.indirect.scatter.add.f32 [tilespmem:s17], [sflag:$0x3], $0x80, s1, s20, $0xb8;
	[tilespmem:$0x1E800] =	vst v63  }
0x5b: {  	_ =	swait.ge [sflag:s18], $0x4000  }
0x5c: {  	[sflag:s18] =	ssyncset.done $0x0  }
0x5d: {  	s31 =	sadd.s32 $0x100, s29;
	[sflag:s18] =	ssyncadd.s32 $0xFFFFC000  }
0x5e: {  	[tilespmem:s17], [sflag:$0x1] =	stream.indirect.gather [hbm4b:s4+s20], $0x80, s31, s20, $0xb8;
	[tilespmem:$0x1E800] =	vst v63  }
0x5f: {  	_ =	swait.ge [sflag:s23], $0x4000  }
0x60: {  	[sflag:s23] =	ssyncset.done $0x0  }
0x61: {  	s1 =	sadd.s32 $0x1480, s29;
	[sflag:s23] =	ssyncadd.s32 $0xFFFFC000  }
0x62: {  	[spmem:s2] =	stream.indirect.scatter.add.f32 [tilespmem:s21], [sflag:$0x3], $0x80, s1, s20, $0xb8;
	[tilespmem:$0x1E800] =	vst v63  }
0x63: {  	_ =	swait.ge [sflag:s18], $0x4000  }
0x64: {  	[sflag:s18] =	ssyncset.done $0x0  }
0x65: {  	[sflag:s18] =	ssyncadd.s32 $0xFFFFC000  }
0x66: {  	[tilespmem:s21], [sflag:$0x2] =	stream.indirect.gather [hbm4b:s4+s20], $0x80, s24, s20, $0xb8;
	[tilespmem:$0x1E800] =	vst v63  }
0x67: {  	_ =	swait.ge [sflag:s22], $0x4000  }
0x68: {  	[sflag:s22] =	ssyncset.done $0x0  }
0x69: {  	[sflag:s22] =	ssyncadd.s32 $0xFFFFC000  }
0x6a: {  	[spmem:s2] =	stream.indirect.scatter.add.f32 [tilespmem:s17], [sflag:$0x3], $0x80, s25, s20, $0xb8;
	[tilespmem:$0x1E800] =	vst v63  }
0x6b: {  	_ =	swait.ge [sflag:s18], $0x4000  }
0x6c: {  	[sflag:s18] =	ssyncset.done $0x0  }
0x6d: {  	[sflag:s18] =	ssyncadd.s32 $0xFFFFC000  }
0x6e: {  	_ =	swait.ge [sflag:s23], $0x4000  }
0x6f: {  	[sflag:s23] =	ssyncset.done $0x0  }
0x70: {  	[sflag:s23] =	ssyncadd.s32 $0xFFFFC000  }
0x71: {  	[spmem:s2] =	stream.indirect.scatter.add.f32 [tilespmem:s21], [sflag:$0x3], $0x80, s26, s20, $0xb8;
	[tilespmem:$0x1E800] =	vst v63  }
0x72: {  	_ =	swait.ge [sflag:s18], $0x4000  }
0x73: {  	[sflag:s18] =	ssyncset.done $0x0  }
0x74: {  	s31 =	simm.s32 $0x0;
	[sflag:s18] =	ssyncadd.s32 $0xFFFFC000  }
0x75: {  	[tilespmem:s31], [sflag:$0x3] =	stream.linear.gather [hbm4b:s15+s31], $0x1400, $0x38;
	[tilespmem:$0x1E800] =	vst v63  }
0x76: {  	_ =	swait.ge [sflag:s18], $0x1400  }
0x77: {  	[sflag:s18] =	ssyncset.done $0x0  }
0x78: {  	[sflag:s18] =	ssyncadd.s32 $0xFFFFEC00  }
0x79: {  	[tilespmem:s19], [sflag:$0x3] =	stream.linear.gather [hbm4b:s16+s31], $0x1400, $0x38;
	[tilespmem:$0x1E800] =	vst v63  }
0x7a: {  	_ =	swait.ge [sflag:s18], $0x1400  }
0x7b: {  	[sflag:s18] =	ssyncset.done $0x0  }
0x7c: {  	[sflag:s18] =	ssyncadd.s32 $0xFFFFEC00  }
0x7d: {  	[tilespmem:s17], [sflag:$0x1] =	stream.indirect.gather [hbm4b:s4+s20], $0x80, s31, s20, $0xb8;
	[tilespmem:$0x1E800] =	vst v63  }
0x7e: {  	s1 =	simm.s32 $0x80  }
0x7f: {  	[tilespmem:s21], [sflag:$0x2] =	stream.indirect.gather [hbm4b:s4+s20], $0x80, s1, s20, $0xb8;
	[tilespmem:$0x1E800] =	vst v63  }
0x80: {  	_ =	swait.ge [sflag:s22], $0x4000  }
0x81: {  	[sflag:s22] =	ssyncset.done $0x0  }
0x82: {  	s31 =	simm.s32 $0x1400;
	[sflag:s22] =	ssyncadd.s32 $0xFFFFC000  }
0x83: {  	[spmem:s2] =	stream.indirect.scatter.add.f32 [tilespmem:s17], [sflag:$0x3], $0x80, s31, s20, $0xb8;
	[tilespmem:$0x1E800] =	vst v63  }
0x84: {  	_ =	swait.ge [sflag:s18], $0x4000  }
0x85: {  	[sflag:s18] =	ssyncset.done $0x0  }
0x86: {  	s1 =	simm.s32 $0x100;
	[sflag:s18] =	ssyncadd.s32 $0xFFFFC000  }
0x87: {  	[tilespmem:s17], [sflag:$0x1] =	stream.indirect.gather [hbm4b:s4+s20], $0x80, s1, s20, $0xb8;
	[tilespmem:$0x1E800] =	vst v63  }
0x88: {  	_ =	swait.ge [sflag:s23], $0x4000  }
0x89: {  	[sflag:s23] =	ssyncset.done $0x0  }
0x8a: {  	s31 =	simm.s32 $0x1480;
	[sflag:s23] =	ssyncadd.s32 $0xFFFFC000  }
0x8b: {  	[spmem:s2] =	stream.indirect.scatter.add.f32 [tilespmem:s21], [sflag:$0x3], $0x80, s31, s20, $0xb8;
	[tilespmem:$0x1E800] =	vst v63  }
0x8c: {  	_ =	swait.ge [sflag:s18], $0x4000  }
0x8d: {  	s30 =	simm.s32 $0x800;
	s29 =	simm.s32 $0x100;
	[sflag:s18] =	ssyncset.done $0x0  }
.LBB2_4:
0x8e: {  	s0 =	sadd.s32 $0x80, s29  }
0x8f: {  	[sflag:s18] =	ssyncadd.s32 $0xFFFFC000;
	s1 =	smov.u32 s30;
	s31 =	sadd.s32 $0x400, s30  }
0x90: {  	[tilespmem:s21], [sflag:$0x2] =	stream.indirect.gather [hbm4b:s4+s20], $0x80, s0, s20, $0xb8;
	[tilespmem:$0x1E800] =	vst v63  }
0x91: {  	p0 =	sne.s32 s30, $0x4800;
	_ =	swait.ge [sflag:s22], $0x4000  }
0x92: {  	[sflag:s22] =	ssyncset.done $0x0  }
0x93: {  	s0 =	sadd.s32 $0x1400, s29;
	[sflag:s22] =	ssyncadd.s32 $0xFFFFC000  }
0x94: {  	[spmem:s2] =	stream.indirect.scatter.add.f32 [tilespmem:s17], [sflag:$0x3], $0x80, s0, s20, $0xb8;
	[tilespmem:$0x1E800] =	vst v63  }
0x95: {  	_ =	swait.ge [sflag:s18], $0x4000  }
0x96: {  	[sflag:s18] =	ssyncset.done $0x0  }
0x97: {  	s0 =	sadd.s32 $0x100, s29;
	[sflag:s18] =	ssyncadd.s32 $0xFFFFC000  }
0x98: {  	[tilespmem:s17], [sflag:$0x1] =	stream.indirect.gather [hbm4b:s4+s20], $0x80, s0, s20, $0xb8;
	[tilespmem:$0x1E800] =	vst v63  }
0x99: {  	_ =	swait.ge [sflag:s23], $0x4000  }
.Ltmp1:
0x9a: {  	[sflag:s23] =	ssyncset.done $0x0;
	(pc) =	sbr.rel @p0 .LBB2_4-.Ltmp1, $4  }
0x9b: {  	s0 =	sadd.s32 $0x1480, s29;
	[sflag:s23] =	ssyncadd.s32 $0xFFFFC000  }
0x9c: {  	[spmem:s2] =	stream.indirect.scatter.add.f32 [tilespmem:s21], [sflag:$0x3], $0x80, s0, s20, $0xb8;
	[tilespmem:$0x1E800] =	vst v63  }
0x9d: {  	_ =	swait.ge [sflag:s18], $0x4000  }
0x9e: {  	s30 =	smov.u32 s31;
	s29 =	sshra.s32 s1, $0x2;
	[sflag:s18] =	ssyncset.done $0x0  }
0x9f: {  	s0 =	sadd.s32 $0x80, s29;
	[sflag:s18] =	ssyncadd.s32 $0xFFFFC000  }
0xa0: {  	[tilespmem:s21], [sflag:$0x2] =	stream.indirect.gather [hbm4b:s4+s20], $0x80, s0, s20, $0xb8;
	[tilespmem:$0x1E800] =	vst v63  }
0xa1: {  	_ =	swait.ge [sflag:s22], $0x4000  }
0xa2: {  	[sflag:s22] =	ssyncset.done $0x0  }
0xa3: {  	s31 =	sadd.s32 $0x1400, s29;
	[sflag:s22] =	ssyncadd.s32 $0xFFFFC000  }
0xa4: {  	[spmem:s2] =	stream.indirect.scatter.add.f32 [tilespmem:s17], [sflag:$0x3], $0x80, s31, s20, $0xb8;
	[tilespmem:$0x1E800] =	vst v63  }
0xa5: {  	_ =	swait.ge [sflag:s18], $0x4000  }
0xa6: {  	[sflag:s18] =	ssyncset.done $0x0  }
0xa7: {  	s1 =	sadd.s32 $0x100, s29;
	[sflag:s18] =	ssyncadd.s32 $0xFFFFC000  }
0xa8: {  	[tilespmem:s17], [sflag:$0x1] =	stream.indirect.gather [hbm4b:s4+s20], $0x80, s1, s20, $0xb8;
	[tilespmem:$0x1E800] =	vst v63  }
0xa9: {  	_ =	swait.ge [sflag:s23], $0x4000  }
0xaa: {  	[sflag:s23] =	ssyncset.done $0x0  }
0xab: {  	s30 =	sadd.s32 $0x1480, s29;
	[sflag:s23] =	ssyncadd.s32 $0xFFFFC000  }
0xac: {  	[spmem:s2] =	stream.indirect.scatter.add.f32 [tilespmem:s21], [sflag:$0x3], $0x80, s30, s20, $0xb8;
	[tilespmem:$0x1E800] =	vst v63  }
0xad: {  	_ =	swait.ge [sflag:s18], $0x4000  }
0xae: {  	[sflag:s18] =	ssyncset.done $0x0  }
0xaf: {  	[sflag:s18] =	ssyncadd.s32 $0xFFFFC000  }
0xb0: {  	[tilespmem:s21], [sflag:$0x2] =	stream.indirect.gather [hbm4b:s4+s20], $0x80, s24, s20, $0xb8;
	[tilespmem:$0x1E800] =	vst v63  }
0xb1: {  	_ =	swait.ge [sflag:s22], $0x4000  }
0xb2: {  	[sflag:s22] =	ssyncset.done $0x0  }
0xb3: {  	[sflag:s22] =	ssyncadd.s32 $0xFFFFC000  }
0xb4: {  	[spmem:s2] =	stream.indirect.scatter.add.f32 [tilespmem:s17], [sflag:$0x3], $0x80, s25, s20, $0xb8;
	[tilespmem:$0x1E800] =	vst v63  }
0xb5: {  	_ =	swait.ge [sflag:s18], $0x4000  }
0xb6: {  	[sflag:s18] =	ssyncset.done $0x0  }
0xb7: {  	[sflag:s18] =	ssyncadd.s32 $0xFFFFC000  }
0xb8: {  	_ =	swait.ge [sflag:s23], $0x4000  }
0xb9: {  	[sflag:s23] =	ssyncset.done $0x0  }
0xba: {  	[sflag:s23] =	ssyncadd.s32 $0xFFFFC000  }
0xbb: {  	[spmem:s2] =	stream.indirect.scatter.add.f32 [tilespmem:s21], [sflag:$0x3], $0x80, s26, s20, $0xb8;
	[tilespmem:$0x1E800] =	vst v63  }
0xbc: {  	s31 =	stileid.u32;
	_ =	swait.ge [sflag:s18], $0x4000  }
0xbd: {  	s28 =	sadd.s32 $0x1, s28;
	s0 =	sshll.u32 s31, $0x6;
	[sflag:s18] =	ssyncset.done $0x0  }
0xbe: {  	p0 =	sne.s32 s28, s12;
	s0 =	sor.u32 $0x1C03, s0;
	[sflag:s18] =	ssyncadd.s32 $0xFFFFC000  }
.Ltmp2:
0xbf: {  	s1 =	sshrl.u32 s6, $0x3;
	[bflag:$0x0] =	sbarrier.arrive $0xFFFF;
	(pc) =	sbr.rel @p0 .LBB2_1-.Ltmp2, $4  }
0xc0: {  	[hbm:s11], [sflag:s0] =	dma.local [spmem:s1], $0x2800  }
0xc1: {  	_ =	swait.ge [sflag:s18], $0x2800  }
0xc2: {  	[sflag:s18] =	ssyncset.done $0x0  }
0xc3: {  	[sflag:s18] =	ssyncadd.s32 $0xFFFFD800  }
0xc4: {  	_ =	sfence.sel $0x180000  }
0xc5: {  	[bflag:$0x0] =	sbarrier.arrive $0xFFFF  }
0xc6: {  	_ =	strace $0x9000004A  }
0xc7: {  	s0 =	stileid.u32;
	[bflag:$0x2] =	sbarrier.arrive $0xFFFF  }
0xc8: {  	p0 =	sne.s32 s0, $0x0;
	s0 =	rddreg [dreg:$0x3]  }
0xc9: {  	s0 =	sadd.s32 @!p0 $0x100000, s0  }
0xca: {  	[sflag:s0] =	ssyncadd.tile.s32 @!p0 $0x1;
	_ =	shalt  }
.Lfunc_end2:
_tile_overlayer_lowered:
.L_overlay_start_2:
0xcb: {  	(tag) =	ssettag $0x2  }
0xcc: {  	s0 =	rddreg [dreg:$0x0];
	s2 =	stileid.u32  }
0xcd: {  	s1 =	rddreg [dreg:$0x1];
	p0 =	sne.s32 s2, $0x0  }
0xce: {  	s3 =	rddreg [dreg:$0x2];
	[bflag:$0x3] =	sbarrier.arrive $0xFFFF;
	s2 =	simm.s32 @!p0 $0x1C03  }
0xcf: {  	[timem:s3], [sflag:s2] =	dma.local @!p0 [hbm:s0], s1  }
0xd0: {  	s0 =	simm.s32 @!p0 $0x3  }
0xd1: {  	_ =	swait.ge @!p0 [sflag:s0], s1  }
0xd2: {  	s1 =	ssub.s32 @!p0 $0x0, s1;
	[sflag:s0] =	ssyncset.done @!p0 $0x0  }
0xd3: {  	[sflag:s0] =	ssyncadd.s32 @!p0 s1  }
0xd4: {  	[bflag:$0x3] =	sbarrier.arrive $0xFFFF  }
0xd5: {  	_ =	shalt  }

// kernel: kernel.14.cloned.1.call-start
scs
__scs_entry_jumppad:
0x0: {  	(pc) =	sbr.rel $0x88, $3  }
0x1: {  	(tag) =	ssettag $0x0;
	lr =	simm.s32 $0x1  }
0x2: {  	[smem:$0x3F99] =	sst lr;
	_ =	strace $0xD0000000  }
0x3: {  	_ = 	snop  }
0x4: {  	_ = 	snop  }
0x5: {  	_ = 	snop  }
0x6: {  	_ = 	snop  }
0x7: {  	_ = 	snop  }
__scs_overlays_trampoline_lowered:
0x8: {  	[smem:$0x3FA8] =	sst s0  }
0x9: {  	[smem:$0x3FA9] =	sst s1  }
0xa: {  	[smem:$0x3FAA] =	sst s2  }
0xb: {  	[smem:$0x3FAB] =	sst s3  }
0xc: {  	[smem:$0x3FAC] =	sst s4  }
0xd: {  	[smem:$0x3FAD] =	sst s5  }
0xe: {  	[smem:$0x3FAE] =	sst s6  }
0xf: {  	[smem:$0x3FAF] =	sst s7  }
0x10: {  	[smem:$0x3FB0] =	sst s8  }
0x11: {  	[smem:$0x3FB1] =	sst s9;
	s0 =	simm.s32 @!p0 $0x0  }
0x12: {  	s1 =	sld [smem:$0x3F97];
	s0 =	simm.s32 @p0 $0x1  }
0x13: {  	[smem:$0x3FB2] =	sst s0;
	s0 =	simm.s32 @!p1 $0x0  }
0x14: {  	s2 =	sld [smem:$0x3F96];
	s0 =	simm.s32 @p1 $0x1  }
0x15: {  	[smem:$0x3FB3] =	sst s0;
	s0 =	simm.s32 @!p2 $0x0  }
0x16: {  	s3 =	sld [smem:$0x3FDB];
	s0 =	simm.s32 @p2 $0x1  }
0x17: {  	s4 =	simm.s32 $0x1BF5;
	[smem:$0x3FB5] =	sst s0  }
0x18: {  	s0 =	sld [smem:$0x3F98];
	_ =	swait.ge [sflag:s4], $0x0  }
0x19: {  	s7 =	sld [smem:$0x3F99]  }
0x1a: {  	s8 =	sadd.s32 $0xFFFFE003, lr  }
0x1b: {  	s9 =	sadd.s32 $0xFFFFFEF7, lr;
	s5 =	simm.s32 $0xFFFFFFFF;
	p2 =	slt.u32 s8, $0xFFFFF086  }
0x1c: {  	p1 =	slt.u32 s9, $0xF7A;
	s5 =	simm.s32 @!p2 $0x0  }
0x1d: {  	s5 =	simm.s32 @p1 $0x1;
	p0 =	seq.s32 s7, s2  }
0x1e: {  	s7 =	smul.u32 @!p0 $0xF7A, s2;
	p2 =	seq.s32 @!p0 s5, $0x0  }
0x1f: {  	s9 =	smul.u32 $0xF7A, s1;
	s8 =	simm.s32 @!p0 $0x1BF5;
	p2 =	por !p2, p0  }
0x20: {  	[sflag:s8] =	ssyncset.s32 @!p0 $0xFFFFF086;
	s6 =	sadd.s32 @!p0 s3, s7;
	s7 =	simm.s32 @!p0 $0x108  }
0x21: {  	s3 =	sadd.s32 s3, s9;
	s6 =	sadd.s32 @!p0 $0x88, s6;
	s7 =	simm.s32 @p2 $0x1082  }
0x22: {  	[simem:s7], [sflag:s8] =	dma.local @!p0 [hbm:s6], $0xF7A  }
0x23: {  	s9 =	sor.u32 $0xD0000000, s2;
	s6 =	simm.s32 $0x108;
	_ =	swait.ge @!p0 [sflag:s8], $0x0  }
0x24: {  	s3 =	sadd.s32 $0x88, s3;
	s6 =	simm.s32 @!p1 $0x1082;
	[sflag:s4] =	ssyncset.s32 $0xFFFFF086  }
0x25: {  	[simem:s6], [sflag:s4] =	dma.local [hbm:s3], $0xF7A  }
0x26: {  	[smem:$0x3F99] =	sst s1;
	(tag) =	ssettag s2;
	_ =	strace s9  }
0x27: {  	s1 =	sld [smem:$0x3FA9]  }
0x28: {  	s2 =	sld [smem:$0x3FAA]  }
0x29: {  	s4 =	sld [smem:$0x3FAC]  }
0x2a: {  	p0 =	seq.s32 s5, $0x0;
	s5 =	sld [smem:$0x3FAD]  }
0x2b: {  	s6 =	sld [smem:$0x3FAE]  }
0x2c: {  	s7 =	sld [smem:$0x3FAF]  }
0x2d: {  	s3 =	simm.s32 $0x108;
	s8 =	sld [smem:$0x3FB0]  }
0x2e: {  	s3 =	simm.s32 @!p0 $0x1082;
	s9 =	sld [smem:$0x3FB1]  }
0x2f: {  	lr =	sadd.s32 s0, s3;
	s0 =	sld [smem:$0x3FA8]  }
0x30: {  	s3 =	sld [smem:$0x3FAB]  }
0x31: {  	[smem:$0x3FB4] =	sst s10  }
0x32: {  	s10 =	sld [smem:$0x3FB2];
	_ =	sdelay $0x3  }
0x33: {  	p0 =	seq.s32 s10, $0x1;
	s10 =	sld [smem:$0x3FB4];
	_ =	sdelay $0x3  }
0x34: {  	[smem:$0x3FB4] =	sst s10  }
0x35: {  	s10 =	sld [smem:$0x3FB3];
	_ =	sdelay $0x3  }
0x36: {  	p1 =	seq.s32 s10, $0x1;
	s10 =	sld [smem:$0x3FB4];
	_ =	sdelay $0x3  }
0x37: {  	[smem:$0x3FB4] =	sst s10  }
0x38: {  	s10 =	sld [smem:$0x3FB5]  }
0x39: {  	_ = 	snop;
	(pc) =	sbr.ind lr, $3  }
0x3a: {  	_ = 	snop  }
0x3b: {  	_ = 	snop  }
0x3c: {  	p2 =	seq.s32 s10, $0x1;
	s10 =	sld [smem:$0x3FB4]  }
0x3d: {  	_ =	shalt  }
0x3e: {  	_ =	shalt  }
0x3f: {  	_ =	shalt  }
0x40: {  	_ =	shalt  }
0x41: {  	_ =	shalt  }
0x42: {  	_ =	shalt  }
0x43: {  	_ =	shalt  }
0x44: {  	_ =	shalt  }
0x45: {  	_ =	shalt  }
0x46: {  	_ =	shalt  }
0x47: {  	_ =	shalt  }
0x48: {  	_ =	shalt  }
0x49: {  	_ =	shalt  }
0x4a: {  	_ =	shalt  }
0x4b: {  	_ =	shalt  }
0x4c: {  	_ =	shalt  }
0x4d: {  	_ =	shalt  }
0x4e: {  	_ =	shalt  }
0x4f: {  	_ =	shalt  }
0x50: {  	_ =	shalt  }
0x51: {  	_ =	shalt  }
0x52: {  	_ =	shalt  }
0x53: {  	_ =	shalt  }
0x54: {  	_ =	shalt  }
0x55: {  	_ =	shalt  }
0x56: {  	_ =	shalt  }
0x57: {  	_ =	shalt  }
0x58: {  	_ =	shalt  }
0x59: {  	_ =	shalt  }
0x5a: {  	_ =	shalt  }
0x5b: {  	_ =	shalt  }
0x5c: {  	_ =	shalt  }
0x5d: {  	_ =	shalt  }
0x5e: {  	_ =	shalt  }
0x5f: {  	_ =	shalt  }
0x60: {  	_ =	shalt  }
0x61: {  	_ =	shalt  }
0x62: {  	_ =	shalt  }
0x63: {  	_ =	shalt  }
0x64: {  	_ =	shalt  }
0x65: {  	_ =	shalt  }
0x66: {  	_ =	shalt  }
0x67: {  	_ =	shalt  }
0x68: {  	_ =	shalt  }
0x69: {  	_ =	shalt  }
0x6a: {  	_ =	shalt  }
0x6b: {  	_ =	shalt  }
0x6c: {  	_ =	shalt  }
0x6d: {  	_ =	shalt  }
0x6e: {  	_ =	shalt  }
0x6f: {  	_ =	shalt  }
0x70: {  	_ =	shalt  }
0x71: {  	_ =	shalt  }
0x72: {  	_ =	shalt  }
0x73: {  	_ =	shalt  }
0x74: {  	_ =	shalt  }
0x75: {  	_ =	shalt  }
0x76: {  	_ =	shalt  }
0x77: {  	_ =	shalt  }
0x78: {  	_ =	shalt  }
0x79: {  	_ =	shalt  }
0x7a: {  	_ =	shalt  }
0x7b: {  	_ =	shalt  }
0x7c: {  	_ =	shalt  }
0x7d: {  	_ =	shalt  }
0x7e: {  	_ =	shalt  }
0x7f: {  	_ =	shalt  }
0x80: {  	_ =	shalt  }
0x81: {  	_ =	shalt  }
0x82: {  	_ =	shalt  }
0x83: {  	_ =	shalt  }
0x84: {  	_ =	shalt  }
0x85: {  	_ =	shalt  }
0x86: {  	_ =	shalt  }
0x87: {  	_ =	shalt  }
.Lfunc_end0:
.L_simem_size_0:
called_computation.2_lowered:
.L_overlay_start_0:
0x88: {  	s2 =	sld [smem:$0x3FD9]  }
0x89: {  	s3 =	sld [smem:$0x3FFE];
	_ =	sdelay $0x1  }
0x8a: {  	s1 =	srdreg.scid  }
0x8b: {  	s0 =	sand.u32 $0x1, s1  }
0x8c: {  	s14 =	sshll.u32 s0, $0xA;
	s2 =	sadd.s32 s3, s2  }
0x8d: {  	s2 =	sadd.s32 s2, s14  }
0x8e: {  	[smem:$0x3FC0] =	sst s2  }
0x8f: {  	_ = 	snop  }
0x90: {  	s2 =	sld [smem:$0x3FD0];
	_ =	sdelay $0x2  }
0x91: {  	s15 =	simm.s32 $0xA;
	s4 =	simm.s32 $0x10  }
0x92: {  	[smem:s4], [sflag:s15] =	dma.local [hbm:s2], $0x1  }
0x93: {  	_ =	swait.eq [sflag:s15], $0x1  }
0x94: {  	[sflag:s15] =	ssyncset.done $0x0  }
0x95: {  	[sflag:s15] =	ssyncadd.s32 $0xFFFFFFFF  }
0x96: {  	s16 =	sld [smem:$0x11];
	(tm) =	ssettm $0x1  }
0x97: {  	s17 =	sld [smem:$0x3FFB];
	_ =	sdelay $0x3  }
0x98: {  	_ =	strace s17  }
0x99: {  	s3 =	sld [smem:$0x3FFC];
	_ =	sdelay $0x3  }
0x9a: {  	_ =	strace s3  }
0x9b: {  	s3 =	sld [smem:$0x3FFD];
	_ =	sdelay $0x3  }
0x9c: {  	_ =	strace s3  }
0x9d: {  	_ =	strace $0x8FFFFFFF  }
0x9e: {  	s18 =	sld [smem:$0x3FDB];
	_ =	sdelay $0x1  }
0x9f: {  	s19 =	simm.s32 $_scs_section_size  }
0xa0: {  	s5 =	simm.s32 $_size__tile_overlayer_lowered;
	s6 =	simm.s32 $_tile_overlayer_lowered  }
0xa1: {  	s22 =	simm.s32 $0x1BFF;
	s21 =	sshll.u32 s6, $0x1;
	s3 =	sadd.s32 s19, s18  }
0xa2: {  	s7 =	simm.s32 $0x0;
	s20 =	sshll.u32 s5, $0x1;
	s5 =	sadd.s32 s21, s3  }
0xa3: {  	[timem:s7], [sflag:s22] =	dma.local [hbm:s5], s20  }
0xa4: {  	_ =	swait.ge [sflag:s22], s20  }
0xa5: {  	s4 =	ssub.s32 $0x0, s20;
	[sflag:s22] =	ssyncset.done $0x0  }
0xa6: {  	[sflag:s22] =	ssyncadd.s32 s4;
	_ =	sdelay $0x1  }
0xa7: {  	s23 =	simm.s32 $0x1B8B  }
0xa8: {  	_ =	swait.ge [sflag:s23], $0x1  }
0xa9: {  	[sflag:s23] =	ssyncset.done $0x0  }
0xaa: {  	s25 =	simm.s32 $0x1B8E;
	s24 =	sld [smem:$0x3FFE];
	[sflag:s23] =	ssyncadd.s32 $0xFFFFFFFF  }
0xab: {  	s26 =	simm.s32 $execute0_lowered;
	[smem:$0x3FD2] =	sst s25  }
0xac: {  	s5 =	sshll.u32 s26, $0x1;
	_ =	strace $0x8000004C;
	[dreg:$0x1] =	wrdreg $0xFFFFFFFF  }
0xad: {  	s28 =	simm.s32 $_size_execute0_lowered;
	s3 =	sadd.s32 s3, s5;
	[dreg:$0x0] =	wrdreg $0x0  }
0xae: {  	s5 =	sshll.u32 s28, $0x1;
	[dreg:$0x2] =	wrdreg s3  }
0xaf: {  	[dreg:$0x3] =	wrdreg s5  }
0xb0: {  	[dreg:$0x4] =	wrdreg $0xC0  }
0xb1: {  	_ =	task [dreg:s7], $0x5FFFF  }
0xb2: {  	[dreg:$0x1] =	wrdreg $0xFFFFFFFF  }
0xb3: {  	[dreg:$0x0] =	wrdreg $0x60  }
0xb4: {  	[dreg:$0x2] =	wrdreg s24  }
0xb5: {  	[dreg:$0x3] =	wrdreg s16  }
0xb6: {  	[dreg:$0x4] =	wrdreg $0xA8000  }
0xb7: {  	[dreg:$0x5] =	wrdreg $0x9  }
0xb8: {  	_ =	task.clear_ibuf [dreg:s7], $0x6FFFF;
	_ =	strace $0x9000004C  }
0xb9: {  	s29 =	simm.s32 $0x9;
	_ =	strace $0x8000004E  }
0xba: {  	_ =	swait.ge [sflag:s29], $0x1  }
0xbb: {  	[sflag:s29] =	ssyncadd.s32 $0xFFFFFFFF  }
0xbc: {  	_ =	strace $0x9000004E  }
0xbd: {  	_ =	sfence  }
0xbe: {  	s30 =	sld [smem:$0x0];
	_ =	sdelay $0x2  }
0xbf: {  	s31 =	sshll.u32 s1, $0xD;
	s1 =	sshrl.u32 s1, $0x2  }
0xc0: {  	s3 =	sand.u32 $0x4000, s31;
	s1 =	sadd.s32 s1, s30  }
0xc1: {  	s0 =	sor.u32 s3, s0;
	s1 =	sshll.u32 s1, $0x11  }
0xc2: {  	s0 =	sor.u32 s1, s0  }
0xc3: {  	s0 =	sadd.s32 $0x8F2B, s0  }
0xc4: {  	[sflag:s0] =	ssyncadd.remote.s32 $0x1  }
0xc5: {  	_ =	sfence.sel $0xFFFF  }
0xc6: {  	[dreg:$0x0] =	wrdreg $0xFFFFFFFF;
	(pc) =	sbr.abs _section_cstart, $3  }
0xc7: {  	[dreg:$0x1] =	wrdreg $0xFFFFFFFF  }
0xc8: {  	_ =	task.clear_ibuf [dreg:s7], $0x2FFFF;
	_ =	strace $0x9FFFFFFF  }
0xc9: {  	(tm) =	ssettm $0x7FFFFFFF  }
tec
execute0_lowered:
.L_overlay_start_1:
0x0: {  	(tag) =	ssettag $0x1  }
0x1: {  	s0 =	rddreg [dreg:$0x0]  }
0x2: {  	s1 =	rddreg [dreg:$0x1]  }
0x3: {  	s2 =	rddreg [dreg:$0x2]  }
0x4: {  	s4 =	simm.s32 $0x0;
	s3 =	srdreg.scid;
	s25 =	stileid.u32  }
0x5: {  	s17 =	simm.s32 $0x2800;
	s18 =	simm.s32 $0x3;
	s19 =	simm.s32 $0x1400  }
0x6: {  	s20 =	simm.s32 $0x80;
	s21 =	simm.s32 $0x6800;
	s22 =	simm.s32 $0x1  }
0x7: {  	s23 =	simm.s32 $0x2;
	s24 =	simm.s32 $0x1380;
	s28 =	simm.s32 $0x2780  }
0x8: {  	s29 =	simm.s32 $0x0;
	[smem:$0x7FF] =	sst s4;
	s14 =	sand.u32 $0x1, s3  }
0x9: {  	s9 =	smul.u32 $0x14000, s25;
	s5 =	sadd.s32 $0xCE00, s0;
	s6 =	sadd.s32 $0x2600, s0  }
0xa: {  	s10 =	smul.u32 $0x50000, s25;
	s26 =	sadd.s32 $0xC600, s0;
	s31 =	sshll.u32 s25, $0x6  }
0xb: {  	s8 =	smul.u32 $0x140000, s14;
	_ =	strace $0x8000004D;
	[dreg:$0x4] =	wrdreg s26  }
0xc: {  	s30 =	ssub.s32 $0x2, s14;
	s14 =	smul.u32 $0x50000, s14;
	s26 =	simm.s32 $0x2700  }
0xd: {  	s11 =	sshrl.u32 s30, $0x1;
	s10 =	sshrl.u32 s10, $0x2;
	s8 =	sadd.s32 s9, s8  }
0xe: {  	s16 =	ssub.s32 s30, s11;
	s9 =	smul.u32 $0xA0, s25;
	s8 =	sshrl.u32 s8, $0x3  }
0xf: {  	s25 =	sor.u32 $0x1C03, s31;
	s0 =	sadd.s32 s8, s0;
	s8 =	sadd.s32 s10, s2  }
0x10: {  	s16 =	smax.u32 s16, $0x1;
	s10 =	sadd.s32 $0x4000, s8;
	s11 =	sadd.s32 $0x8000, s8  }
0x11: {  	s12 =	sadd.s32 $0xC000, s8;
	s13 =	sadd.s32 $0x10000, s8;
	s15 =	sadd.s32 $0x5CE00, s0  }
.LBB2_1:
0x12: {  	s0 =	simm.s32 $0x0;
	s3 =	rddreg [dreg:$0x4]  }
0x13: {  	[tilespmem:s17], [sflag:$0x3] =	stream.linear.gather [hbm4b:s3+s0], $0x4000, $0x38;
	[tilespmem:$0x1E800] =	vst v63  }
0x14: {  	_ =	swait.ge [sflag:s18], $0x4000  }
0x15: {  	[sflag:s18] =	ssyncset.done $0x0  }
0x16: {  	[sflag:s18] =	ssyncadd.s32 $0xFFFFC000  }
0x17: {  	[spmem:s8] =	stream.linear.scatter [tilespmem:s17], [sflag:$0x3], $0x4000, $0x38;
	[tilespmem:$0x1E800] =	vst v63  }
0x18: {  	_ =	swait.ge [sflag:s18], $0x4000  }
0x19: {  	[sflag:s18] =	ssyncset.done $0x0  }
0x1a: {  	[sflag:s18] =	ssyncadd.s32 $0xFFFFC000  }
0x1b: {  	[spmem:s10] =	stream.linear.scatter [tilespmem:s17], [sflag:$0x3], $0x4000, $0x38;
	[tilespmem:$0x1E800] =	vst v63  }
0x1c: {  	_ =	swait.ge [sflag:s18], $0x4000  }
0x1d: {  	[sflag:s18] =	ssyncset.done $0x0  }
0x1e: {  	[sflag:s18] =	ssyncadd.s32 $0xFFFFC000  }
0x1f: {  	[spmem:s11] =	stream.linear.scatter [tilespmem:s17], [sflag:$0x3], $0x4000, $0x38;
	[tilespmem:$0x1E800] =	vst v63  }
0x20: {  	_ =	swait.ge [sflag:s18], $0x4000  }
0x21: {  	[sflag:s18] =	ssyncset.done $0x0  }
0x22: {  	[sflag:s18] =	ssyncadd.s32 $0xFFFFC000  }
0x23: {  	[spmem:s12] =	stream.linear.scatter [tilespmem:s17], [sflag:$0x3], $0x4000, $0x38;
	[tilespmem:$0x1E800] =	vst v63  }
0x24: {  	_ =	swait.ge [sflag:s18], $0x4000  }
0x25: {  	[sflag:s18] =	ssyncset.done $0x0  }
0x26: {  	[sflag:s18] =	ssyncadd.s32 $0xFFFFC000  }
0x27: {  	[spmem:s13] =	stream.linear.scatter [tilespmem:s17], [sflag:$0x3], $0x4000, $0x38;
	[tilespmem:$0x1E800] =	vst v63  }
0x28: {  	_ =	swait.ge [sflag:s18], $0x4000  }
0x29: {  	[sflag:s18] =	ssyncset.done $0x0  }
0x2a: {  	[sflag:s18] =	ssyncadd.s32 $0xFFFFC000  }
0x2b: {  	s30 =	simm.s32 $0x0;
	[bflag:$0x0] =	sbarrier.arrive $0xFFFF  }
.LBB2_2:
0x2c: {  	s0 =	smul.u32 $0x28, s30;
	_ =	sdelay $0x1  }
0x2d: {  	s0 =	sadd.s32 s9, s0  }
0x2e: {  	s31 =	sshll.u32 s0, $0x7  }
0x2f: {  	s31 =	sadd.s32 s14, s31  }
0x30: {  	s31 =	sshrl.u32 s31, $0x3  }
0x31: {  	s3 =	simm.s32 $0x0;
	s31 =	sadd.s32 s1, s31  }
0x32: {  	[tilespmem:s3], [sflag:$0x3] =	stream.linear.gather [hbm4b:s31+s3], $0x1400, $0x38;
	[tilespmem:$0x1E800] =	vst v63  }
0x33: {  	_ =	swait.ge [sflag:s18], $0x1400  }
0x34: {  	s0 =	sshll.u32 s0, $0x4;
	[sflag:s18] =	ssyncset.done $0x0  }
0x35: {  	s0 =	sadd.s32 s6, s0;
	[sflag:s18] =	ssyncadd.s32 $0xFFFFEC00  }
0x36: {  	[tilespmem:s19], [sflag:$0x3] =	stream.linear.gather [hbm4b:s0+s3], $0x1400, $0x38;
	[tilespmem:$0x1E800] =	vst v63  }
0x37: {  	_ =	swait.ge [sflag:s18], $0x1400  }
0x38: {  	[sflag:s18] =	ssyncset.done $0x0  }
0x39: {  	[sflag:s18] =	ssyncadd.s32 $0xFFFFEC00  }
0x3a: {  	[tilespmem:s17], [sflag:$0x1] =	stream.indirect.gather [hbm4b:s5+s20], $0x80, s3, s20, $0xb8;
	[tilespmem:$0x1E800] =	vst v63  }
0x3b: {  	s7 =	simm.s32 $0x80  }
0x3c: {  	[tilespmem:s21], [sflag:$0x2] =	stream.indirect.gather [hbm4b:s5+s20], $0x80, s7, s20, $0xb8;
	[tilespmem:$0x1E800] =	vst v63  }
0x3d: {  	_ =	swait.ge [sflag:s22], $0x4000  }
0x3e: {  	[sflag:s22] =	ssyncset.done $0x0  }
0x3f: {  	s3 =	simm.s32 $0x1400;
	[sflag:s22] =	ssyncadd.s32 $0xFFFFC000  }
0x40: {  	[spmem:s2] =	stream.indirect.scatter.add.f32 [tilespmem:s17], [sflag:$0x3], $0x80, s3, s20, $0xb8;
	[tilespmem:$0x1E800] =	vst v63  }
0x41: {  	_ =	swait.ge [sflag:s18], $0x4000  }
0x42: {  	[sflag:s18] =	ssyncset.done $0x0  }
0x43: {  	s4 =	simm.s32 $0x100;
	[sflag:s18] =	ssyncadd.s32 $0xFFFFC000  }
0x44: {  	[tilespmem:s17], [sflag:$0x1] =	stream.indirect.gather [hbm4b:s5+s20], $0x80, s4, s20, $0xb8;
	[tilespmem:$0x1E800] =	vst v63  }
0x45: {  	_ =	swait.ge [sflag:s23], $0x4000  }
0x46: {  	[sflag:s23] =	ssyncset.done $0x0  }
0x47: {  	s7 =	simm.s32 $0x1480;
	[sflag:s23] =	ssyncadd.s32 $0xFFFFC000  }
0x48: {  	[spmem:s2] =	stream.indirect.scatter.add.f32 [tilespmem:s21], [sflag:$0x3], $0x80, s7, s20, $0xb8;
	[tilespmem:$0x1E800] =	vst v63  }
0x49: {  	_ =	swait.ge [sflag:s18], $0x4000  }
0x4a: {  	s31 =	simm.s32 $0x100;
	s0 =	simm.s32 $0x800;
	[sflag:s18] =	ssyncset.done $0x0  }
.LBB2_3:
0x4b: {  	s3 =	sadd.s32 $0x80, s31  }
0x4c: {  	[sflag:s18] =	ssyncadd.s32 $0xFFFFC000;
	s4 =	smov.u32 s0;
	s7 =	sadd.s32 $0x400, s0  }
0x4d: {  	[tilespmem:s21], [sflag:$0x2] =	stream.indirect.gather [hbm4b:s5+s20], $0x80, s3, s20, $0xb8;
	[tilespmem:$0x1E800] =	vst v63  }
0x4e: {  	p0 =	sne.s32 s0, $0x4800;
	_ =	swait.ge [sflag:s22], $0x4000  }
0x4f: {  	[sflag:s22] =	ssyncset.done $0x0  }
0x50: {  	s0 =	sadd.s32 $0x1400, s31;
	[sflag:s22] =	ssyncadd.s32 $0xFFFFC000  }
0x51: {  	[spmem:s2] =	stream.indirect.scatter.add.f32 [tilespmem:s17], [sflag:$0x3], $0x80, s0, s20, $0xb8;
	[tilespmem:$0x1E800] =	vst v63  }
0x52: {  	_ =	swait.ge [sflag:s18], $0x4000  }
0x53: {  	[sflag:s18] =	ssyncset.done $0x0  }
0x54: {  	s0 =	sadd.s32 $0x100, s31;
	[sflag:s18] =	ssyncadd.s32 $0xFFFFC000  }
0x55: {  	[tilespmem:s17], [sflag:$0x1] =	stream.indirect.gather [hbm4b:s5+s20], $0x80, s0, s20, $0xb8;
	[tilespmem:$0x1E800] =	vst v63  }
0x56: {  	_ =	swait.ge [sflag:s23], $0x4000  }
.Ltmp0:
0x57: {  	[sflag:s23] =	ssyncset.done $0x0;
	(pc) =	sbr.rel @p0 .LBB2_3-.Ltmp0, $4  }
0x58: {  	s0 =	sadd.s32 $0x1480, s31;
	[sflag:s23] =	ssyncadd.s32 $0xFFFFC000  }
0x59: {  	[spmem:s2] =	stream.indirect.scatter.add.f32 [tilespmem:s21], [sflag:$0x3], $0x80, s0, s20, $0xb8;
	[tilespmem:$0x1E800] =	vst v63  }
0x5a: {  	_ =	swait.ge [sflag:s18], $0x4000  }
0x5b: {  	s31 =	sshra.s32 s4, $0x2;
	s0 =	smov.u32 s7;
	[sflag:s18] =	ssyncset.done $0x0  }
0x5c: {  	s0 =	sadd.s32 $0x80, s31;
	[sflag:s18] =	ssyncadd.s32 $0xFFFFC000  }
0x5d: {  	[tilespmem:s21], [sflag:$0x2] =	stream.indirect.gather [hbm4b:s5+s20], $0x80, s0, s20, $0xb8;
	[tilespmem:$0x1E800] =	vst v63  }
0x5e: {  	_ =	swait.ge [sflag:s22], $0x4000  }
0x5f: {  	[sflag:s22] =	ssyncset.done $0x0  }
0x60: {  	s4 =	sadd.s32 $0x1400, s31;
	[sflag:s22] =	ssyncadd.s32 $0xFFFFC000  }
0x61: {  	[spmem:s2] =	stream.indirect.scatter.add.f32 [tilespmem:s17], [sflag:$0x3], $0x80, s4, s20, $0xb8;
	[tilespmem:$0x1E800] =	vst v63  }
0x62: {  	_ =	swait.ge [sflag:s18], $0x4000  }
0x63: {  	[sflag:s18] =	ssyncset.done $0x0  }
0x64: {  	s7 =	sadd.s32 $0x100, s31;
	[sflag:s18] =	ssyncadd.s32 $0xFFFFC000  }
0x65: {  	[tilespmem:s17], [sflag:$0x1] =	stream.indirect.gather [hbm4b:s5+s20], $0x80, s7, s20, $0xb8;
	[tilespmem:$0x1E800] =	vst v63  }
0x66: {  	_ =	swait.ge [sflag:s23], $0x4000  }
0x67: {  	[sflag:s23] =	ssyncset.done $0x0  }
0x68: {  	s31 =	sadd.s32 $0x1480, s31;
	[sflag:s23] =	ssyncadd.s32 $0xFFFFC000  }
0x69: {  	[spmem:s2] =	stream.indirect.scatter.add.f32 [tilespmem:s21], [sflag:$0x3], $0x80, s31, s20, $0xb8;
	[tilespmem:$0x1E800] =	vst v63  }
0x6a: {  	_ =	swait.ge [sflag:s18], $0x4000  }
0x6b: {  	[sflag:s18] =	ssyncset.done $0x0  }
0x6c: {  	[sflag:s18] =	ssyncadd.s32 $0xFFFFC000  }
0x6d: {  	[tilespmem:s21], [sflag:$0x2] =	stream.indirect.gather [hbm4b:s5+s20], $0x80, s24, s20, $0xb8;
	[tilespmem:$0x1E800] =	vst v63  }
0x6e: {  	_ =	swait.ge [sflag:s22], $0x4000  }
0x6f: {  	[sflag:s22] =	ssyncset.done $0x0  }
0x70: {  	[sflag:s22] =	ssyncadd.s32 $0xFFFFC000  }
0x71: {  	[spmem:s2] =	stream.indirect.scatter.add.f32 [tilespmem:s17], [sflag:$0x3], $0x80, s26, s20, $0xb8;
	[tilespmem:$0x1E800] =	vst v63  }
0x72: {  	_ =	swait.ge [sflag:s18], $0x4000  }
0x73: {  	[sflag:s18] =	ssyncset.done $0x0  }
0x74: {  	[sflag:s18] =	ssyncadd.s32 $0xFFFFC000  }
0x75: {  	s30 =	sadd.s32 $0x1, s30;
	_ =	swait.ge [sflag:s23], $0x4000  }
0x76: {  	p0 =	sne.s32 s30, $0x4;
	[sflag:s23] =	ssyncset.done $0x0  }
.Ltmp1:
0x77: {  	[sflag:s23] =	ssyncadd.s32 $0xFFFFC000;
	(pc) =	sbr.rel @p0 .LBB2_2-.Ltmp1, $4  }
0x78: {  	[spmem:s2] =	stream.indirect.scatter.add.f32 [tilespmem:s21], [sflag:$0x3], $0x80, s28, s20, $0xb8;
	[tilespmem:$0x1E800] =	vst v63  }
0x79: {  	_ =	swait.ge [sflag:s18], $0x4000  }
0x7a: {  	[sflag:s18] =	ssyncset.done $0x0  }
0x7b: {  	[sflag:s18] =	ssyncadd.s32 $0xFFFFC000  }
0x7c: {  	s29 =	sadd.s32 $0x1, s29  }
0x7d: {  	p0 =	sne.s32 s29, s16  }
.Ltmp2:
0x7e: {  	[bflag:$0x0] =	sbarrier.arrive $0xFFFF;
	s0 =	sshrl.u32 s8, $0x3;
	(pc) =	sbr.rel @p0 .LBB2_1-.Ltmp2, $4  }
0x7f: {  	[hbm:s15], [sflag:s25] =	dma.local [spmem:s0], $0x2800  }
0x80: {  	_ =	swait.ge [sflag:s18], $0x2800  }
0x81: {  	[sflag:s18] =	ssyncset.done $0x0  }
0x82: {  	[sflag:s18] =	ssyncadd.s32 $0xFFFFD800  }
0x83: {  	_ =	sfence.sel $0x180000  }
0x84: {  	[bflag:$0x0] =	sbarrier.arrive $0xFFFF  }
0x85: {  	_ =	strace $0x9000004D  }
0x86: {  	s0 =	stileid.u32;
	[bflag:$0x2] =	sbarrier.arrive $0xFFFF  }
0x87: {  	p0 =	sne.s32 s0, $0x0;
	s0 =	rddreg [dreg:$0x3]  }
0x88: {  	s0 =	sadd.s32 @!p0 $0x100000, s0  }
0x89: {  	[sflag:s0] =	ssyncadd.tile.s32 @!p0 $0x1;
	_ =	shalt  }
.Lfunc_end2:
_tile_overlayer_lowered:
.L_overlay_start_2:
0x8a: {  	(tag) =	ssettag $0x2  }
0x8b: {  	s0 =	rddreg [dreg:$0x0];
	s2 =	stileid.u32  }
0x8c: {  	s1 =	rddreg [dreg:$0x1];
	p0 =	sne.s32 s2, $0x0  }
0x8d: {  	s3 =	rddreg [dreg:$0x2];
	[bflag:$0x3] =	sbarrier.arrive $0xFFFF;
	s2 =	simm.s32 @!p0 $0x1C03  }
0x8e: {  	[timem:s3], [sflag:s2] =	dma.local @!p0 [hbm:s0], s1  }
0x8f: {  	s0 =	simm.s32 @!p0 $0x3  }
0x90: {  	_ =	swait.ge @!p0 [sflag:s0], s1  }
0x91: {  	s1 =	ssub.s32 @!p0 $0x0, s1;
	[sflag:s0] =	ssyncset.done @!p0 $0x0  }
0x92: {  	[sflag:s0] =	ssyncadd.s32 @!p0 s1  }
0x93: {  	[bflag:$0x3] =	sbarrier.arrive $0xFFFF  }
0x94: {  	_ =	shalt  }

// kernel: kernel.8.cloned.1.call-start
scs
__scs_entry_jumppad:
0x0: {  	(pc) =	sbr.rel $0x88, $3  }
0x1: {  	(tag) =	ssettag $0x0;
	lr =	simm.s32 $0x1  }
0x2: {  	[smem:$0x3F99] =	sst lr;
	_ =	strace $0xD0000000  }
0x3: {  	_ = 	snop  }
0x4: {  	_ = 	snop  }
0x5: {  	_ = 	snop  }
0x6: {  	_ = 	snop  }
0x7: {  	_ = 	snop  }
__scs_overlays_trampoline_lowered:
0x8: {  	[smem:$0x3FA8] =	sst s0  }
0x9: {  	[smem:$0x3FA9] =	sst s1  }
0xa: {  	[smem:$0x3FAA] =	sst s2  }
0xb: {  	[smem:$0x3FAB] =	sst s3  }
0xc: {  	[smem:$0x3FAC] =	sst s4  }
0xd: {  	[smem:$0x3FAD] =	sst s5  }
0xe: {  	[smem:$0x3FAE] =	sst s6  }
0xf: {  	[smem:$0x3FAF] =	sst s7  }
0x10: {  	[smem:$0x3FB0] =	sst s8  }
0x11: {  	[smem:$0x3FB1] =	sst s9;
	s0 =	simm.s32 @!p0 $0x0  }
0x12: {  	s1 =	sld [smem:$0x3F97];
	s0 =	simm.s32 @p0 $0x1  }
0x13: {  	[smem:$0x3FB2] =	sst s0;
	s0 =	simm.s32 @!p1 $0x0  }
0x14: {  	s2 =	sld [smem:$0x3F96];
	s0 =	simm.s32 @p1 $0x1  }
0x15: {  	[smem:$0x3FB3] =	sst s0;
	s0 =	simm.s32 @!p2 $0x0  }
0x16: {  	s3 =	sld [smem:$0x3FDB];
	s0 =	simm.s32 @p2 $0x1  }
0x17: {  	s4 =	simm.s32 $0x1BF5;
	[smem:$0x3FB5] =	sst s0  }
0x18: {  	s0 =	sld [smem:$0x3F98];
	_ =	swait.ge [sflag:s4], $0x0  }
0x19: {  	s7 =	sld [smem:$0x3F99]  }
0x1a: {  	s8 =	sadd.s32 $0xFFFFE003, lr  }
0x1b: {  	s9 =	sadd.s32 $0xFFFFFEF7, lr;
	s5 =	simm.s32 $0xFFFFFFFF;
	p2 =	slt.u32 s8, $0xFFFFF086  }
0x1c: {  	p1 =	slt.u32 s9, $0xF7A;
	s5 =	simm.s32 @!p2 $0x0  }
0x1d: {  	s5 =	simm.s32 @p1 $0x1;
	p0 =	seq.s32 s7, s2  }
0x1e: {  	s7 =	smul.u32 @!p0 $0xF7A, s2;
	p2 =	seq.s32 @!p0 s5, $0x0  }
0x1f: {  	s9 =	smul.u32 $0xF7A, s1;
	s8 =	simm.s32 @!p0 $0x1BF5;
	p2 =	por !p2, p0  }
0x20: {  	[sflag:s8] =	ssyncset.s32 @!p0 $0xFFFFF086;
	s6 =	sadd.s32 @!p0 s3, s7;
	s7 =	simm.s32 @!p0 $0x108  }
0x21: {  	s3 =	sadd.s32 s3, s9;
	s6 =	sadd.s32 @!p0 $0x88, s6;
	s7 =	simm.s32 @p2 $0x1082  }
0x22: {  	[simem:s7], [sflag:s8] =	dma.local @!p0 [hbm:s6], $0xF7A  }
0x23: {  	s9 =	sor.u32 $0xD0000000, s2;
	s6 =	simm.s32 $0x108;
	_ =	swait.ge @!p0 [sflag:s8], $0x0  }
0x24: {  	s3 =	sadd.s32 $0x88, s3;
	s6 =	simm.s32 @!p1 $0x1082;
	[sflag:s4] =	ssyncset.s32 $0xFFFFF086  }
0x25: {  	[simem:s6], [sflag:s4] =	dma.local [hbm:s3], $0xF7A  }
0x26: {  	[smem:$0x3F99] =	sst s1;
	(tag) =	ssettag s2;
	_ =	strace s9  }
0x27: {  	s1 =	sld [smem:$0x3FA9]  }
0x28: {  	s2 =	sld [smem:$0x3FAA]  }
0x29: {  	s4 =	sld [smem:$0x3FAC]  }
0x2a: {  	p0 =	seq.s32 s5, $0x0;
	s5 =	sld [smem:$0x3FAD]  }
0x2b: {  	s6 =	sld [smem:$0x3FAE]  }
0x2c: {  	s7 =	sld [smem:$0x3FAF]  }
0x2d: {  	s3 =	simm.s32 $0x108;
	s8 =	sld [smem:$0x3FB0]  }
0x2e: {  	s3 =	simm.s32 @!p0 $0x1082;
	s9 =	sld [smem:$0x3FB1]  }
0x2f: {  	lr =	sadd.s32 s0, s3;
	s0 =	sld [smem:$0x3FA8]  }
0x30: {  	s3 =	sld [smem:$0x3FAB]  }
0x31: {  	[smem:$0x3FB4] =	sst s10  }
0x32: {  	s10 =	sld [smem:$0x3FB2];
	_ =	sdelay $0x3  }
0x33: {  	p0 =	seq.s32 s10, $0x1;
	s10 =	sld [smem:$0x3FB4];
	_ =	sdelay $0x3  }
0x34: {  	[smem:$0x3FB4] =	sst s10  }
0x35: {  	s10 =	sld [smem:$0x3FB3];
	_ =	sdelay $0x3  }
0x36: {  	p1 =	seq.s32 s10, $0x1;
	s10 =	sld [smem:$0x3FB4];
	_ =	sdelay $0x3  }
0x37: {  	[smem:$0x3FB4] =	sst s10  }
0x38: {  	s10 =	sld [smem:$0x3FB5]  }
0x39: {  	_ = 	snop;
	(pc) =	sbr.ind lr, $3  }
0x3a: {  	_ = 	snop  }
0x3b: {  	_ = 	snop  }
0x3c: {  	p2 =	seq.s32 s10, $0x1;
	s10 =	sld [smem:$0x3FB4]  }
0x3d: {  	_ =	shalt  }
0x3e: {  	_ =	shalt  }
0x3f: {  	_ =	shalt  }
0x40: {  	_ =	shalt  }
0x41: {  	_ =	shalt  }
0x42: {  	_ =	shalt  }
0x43: {  	_ =	shalt  }
0x44: {  	_ =	shalt  }
0x45: {  	_ =	shalt  }
0x46: {  	_ =	shalt  }
0x47: {  	_ =	shalt  }
0x48: {  	_ =	shalt  }
0x49: {  	_ =	shalt  }
0x4a: {  	_ =	shalt  }
0x4b: {  	_ =	shalt  }
0x4c: {  	_ =	shalt  }
0x4d: {  	_ =	shalt  }
0x4e: {  	_ =	shalt  }
0x4f: {  	_ =	shalt  }
0x50: {  	_ =	shalt  }
0x51: {  	_ =	shalt  }
0x52: {  	_ =	shalt  }
0x53: {  	_ =	shalt  }
0x54: {  	_ =	shalt  }
0x55: {  	_ =	shalt  }
0x56: {  	_ =	shalt  }
0x57: {  	_ =	shalt  }
0x58: {  	_ =	shalt  }
0x59: {  	_ =	shalt  }
0x5a: {  	_ =	shalt  }
0x5b: {  	_ =	shalt  }
0x5c: {  	_ =	shalt  }
0x5d: {  	_ =	shalt  }
0x5e: {  	_ =	shalt  }
0x5f: {  	_ =	shalt  }
0x60: {  	_ =	shalt  }
0x61: {  	_ =	shalt  }
0x62: {  	_ =	shalt  }
0x63: {  	_ =	shalt  }
0x64: {  	_ =	shalt  }
0x65: {  	_ =	shalt  }
0x66: {  	_ =	shalt  }
0x67: {  	_ =	shalt  }
0x68: {  	_ =	shalt  }
0x69: {  	_ =	shalt  }
0x6a: {  	_ =	shalt  }
0x6b: {  	_ =	shalt  }
0x6c: {  	_ =	shalt  }
0x6d: {  	_ =	shalt  }
0x6e: {  	_ =	shalt  }
0x6f: {  	_ =	shalt  }
0x70: {  	_ =	shalt  }
0x71: {  	_ =	shalt  }
0x72: {  	_ =	shalt  }
0x73: {  	_ =	shalt  }
0x74: {  	_ =	shalt  }
0x75: {  	_ =	shalt  }
0x76: {  	_ =	shalt  }
0x77: {  	_ =	shalt  }
0x78: {  	_ =	shalt  }
0x79: {  	_ =	shalt  }
0x7a: {  	_ =	shalt  }
0x7b: {  	_ =	shalt  }
0x7c: {  	_ =	shalt  }
0x7d: {  	_ =	shalt  }
0x7e: {  	_ =	shalt  }
0x7f: {  	_ =	shalt  }
0x80: {  	_ =	shalt  }
0x81: {  	_ =	shalt  }
0x82: {  	_ =	shalt  }
0x83: {  	_ =	shalt  }
0x84: {  	_ =	shalt  }
0x85: {  	_ =	shalt  }
0x86: {  	_ =	shalt  }
0x87: {  	_ =	shalt  }
.Lfunc_end0:
.L_simem_size_0:
called_computation_lowered:
.L_overlay_start_0:
0x88: {  	s2 =	sld [smem:$0x3FD9]  }
0x89: {  	s3 =	sld [smem:$0x3FFE];
	_ =	sdelay $0x1  }
0x8a: {  	s1 =	srdreg.scid  }
0x8b: {  	s0 =	sand.u32 $0x1, s1  }
0x8c: {  	s14 =	sshll.u32 s0, $0xA;
	s2 =	sadd.s32 s3, s2  }
0x8d: {  	s2 =	sadd.s32 s2, s14  }
0x8e: {  	[smem:$0x3FC0] =	sst s2  }
0x8f: {  	_ = 	snop  }
0x90: {  	s2 =	sld [smem:$0x3FD0];
	_ =	sdelay $0x2  }
0x91: {  	s15 =	simm.s32 $0xA;
	s4 =	simm.s32 $0x10  }
0x92: {  	[smem:s4], [sflag:s15] =	dma.local [hbm:s2], $0x1  }
0x93: {  	_ =	swait.eq [sflag:s15], $0x1  }
0x94: {  	[sflag:s15] =	ssyncset.done $0x0  }
0x95: {  	[sflag:s15] =	ssyncadd.s32 $0xFFFFFFFF  }
0x96: {  	s16 =	sld [smem:$0x11];
	(tm) =	ssettm $0x1  }
0x97: {  	s17 =	sld [smem:$0x3FFB];
	_ =	sdelay $0x3  }
0x98: {  	_ =	strace s17  }
0x99: {  	s3 =	sld [smem:$0x3FFC];
	_ =	sdelay $0x3  }
0x9a: {  	_ =	strace s3  }
0x9b: {  	s3 =	sld [smem:$0x3FFD];
	_ =	sdelay $0x3  }
0x9c: {  	_ =	strace s3  }
0x9d: {  	_ =	strace $0x8FFFFFFF  }
0x9e: {  	s18 =	sld [smem:$0x3FDB];
	_ =	sdelay $0x1  }
0x9f: {  	s19 =	simm.s32 $_scs_section_size  }
0xa0: {  	s5 =	simm.s32 $_size__tile_overlayer_lowered;
	s6 =	simm.s32 $_tile_overlayer_lowered  }
0xa1: {  	s22 =	simm.s32 $0x1BFF;
	s21 =	sshll.u32 s6, $0x1;
	s3 =	sadd.s32 s19, s18  }
0xa2: {  	s7 =	simm.s32 $0x0;
	s20 =	sshll.u32 s5, $0x1;
	s5 =	sadd.s32 s21, s3  }
0xa3: {  	[timem:s7], [sflag:s22] =	dma.local [hbm:s5], s20  }
0xa4: {  	_ =	swait.ge [sflag:s22], s20  }
0xa5: {  	s4 =	ssub.s32 $0x0, s20;
	[sflag:s22] =	ssyncset.done $0x0  }
0xa6: {  	[sflag:s22] =	ssyncadd.s32 s4;
	_ =	sdelay $0x1  }
0xa7: {  	s23 =	simm.s32 $0x1B8B  }
0xa8: {  	_ =	swait.ge [sflag:s23], $0x1  }
0xa9: {  	[sflag:s23] =	ssyncset.done $0x0  }
0xaa: {  	s25 =	simm.s32 $0x1B8E;
	s24 =	sld [smem:$0x3FFE];
	[sflag:s23] =	ssyncadd.s32 $0xFFFFFFFF  }
0xab: {  	s26 =	simm.s32 $execute0_lowered;
	[smem:$0x3FD2] =	sst s25  }
0xac: {  	s5 =	sshll.u32 s26, $0x1;
	_ =	strace $0x80000046;
	[dreg:$0x1] =	wrdreg $0xFFFFFFFF  }
0xad: {  	s28 =	simm.s32 $_size_execute0_lowered;
	s3 =	sadd.s32 s3, s5;
	[dreg:$0x0] =	wrdreg $0x0  }
0xae: {  	s5 =	sshll.u32 s28, $0x1;
	[dreg:$0x2] =	wrdreg s3  }
0xaf: {  	[dreg:$0x3] =	wrdreg s5  }
0xb0: {  	[dreg:$0x4] =	wrdreg $0xC0  }
0xb1: {  	_ =	task [dreg:s7], $0x5FFFF  }
0xb2: {  	[dreg:$0x1] =	wrdreg $0xFFFFFFFF  }
0xb3: {  	[dreg:$0x0] =	wrdreg $0x60  }
0xb4: {  	[dreg:$0x2] =	wrdreg s24  }
0xb5: {  	[dreg:$0x3] =	wrdreg s16  }
0xb6: {  	[dreg:$0x4] =	wrdreg $0x68000  }
0xb7: {  	[dreg:$0x5] =	wrdreg $0x9  }
0xb8: {  	_ =	task.clear_ibuf [dreg:s7], $0x6FFFF;
	_ =	strace $0x90000046  }
0xb9: {  	s29 =	simm.s32 $0x9;
	_ =	strace $0x80000048  }
0xba: {  	_ =	swait.ge [sflag:s29], $0x1  }
0xbb: {  	[sflag:s29] =	ssyncadd.s32 $0xFFFFFFFF  }
0xbc: {  	_ =	strace $0x90000048  }
0xbd: {  	_ =	sfence  }
0xbe: {  	s30 =	sld [smem:$0x0];
	_ =	sdelay $0x2  }
0xbf: {  	s31 =	sshll.u32 s1, $0xD;
	s1 =	sshrl.u32 s1, $0x2  }
0xc0: {  	s3 =	sand.u32 $0x4000, s31;
	s1 =	sadd.s32 s1, s30  }
0xc1: {  	s0 =	sor.u32 s3, s0;
	s1 =	sshll.u32 s1, $0x11  }
0xc2: {  	s0 =	sor.u32 s1, s0  }
0xc3: {  	s0 =	sadd.s32 $0x8F2B, s0  }
0xc4: {  	[sflag:s0] =	ssyncadd.remote.s32 $0x1  }
0xc5: {  	_ =	sfence.sel $0xFFFF  }
0xc6: {  	[dreg:$0x0] =	wrdreg $0xFFFFFFFF;
	(pc) =	sbr.abs _section_cstart, $3  }
0xc7: {  	[dreg:$0x1] =	wrdreg $0xFFFFFFFF  }
0xc8: {  	_ =	task.clear_ibuf [dreg:s7], $0x2FFFF;
	_ =	strace $0x9FFFFFFF  }
0xc9: {  	(tm) =	ssettm $0x7FFFFFFF  }
tec
execute0_lowered:
.L_overlay_start_1:
0x0: {  	(tag) =	ssettag $0x1  }
0x1: {  	s7 =	rddreg [dreg:$0x0]  }
0x2: {  	s2 =	rddreg [dreg:$0x1]  }
0x3: {  	s0 =	srdreg.scid;
	s3 =	rddreg [dreg:$0x2]  }
0x4: {  	s4 =	simm.s32 $0x0;
	s14 =	simm.s32 $0x2800;
	s6 =	sand.u32 $0x1, s0  }
0x5: {  	s15 =	simm.s32 $0x1;
	s0 =	stileid.u32;
	s8 =	smul.u32 $0x140000, s6  }
0x6: {  	s16 =	simm.s32 $0x80;
	s19 =	simm.s32 $0x0;
	s9 =	smul.u32 $0x14000, s0  }
0x7: {  	[smem:$0x7FF] =	sst s4;
	s1 =	sshll.u32 s6, $0x4;
	s10 =	smul.u32 $0x50000, s0  }
0x8: {  	s29 =	ssub.s32 $0x2, s6;
	s17 =	sshll.u32 s0, $0x6;
	s1 =	sor.u32 s0, s1  }
0x9: {  	s31 =	sshrl.u32 s29, $0x1;
	s17 =	sor.u32 $0x1C01, s17;
	s5 =	smul.u32 $0x500, s1  }
0xa: {  	s1 =	rddreg [dreg:$0x3];
	_ =	strace $0x80000047;
	s8 =	sadd.s32 s9, s8  }
0xb: {  	s30 =	sshrl.u32 s10, $0x2;
	s13 =	ssub.s32 s29, s31;
	s8 =	sshrl.u32 s8, $0x3  }
0xc: {  	s6 =	sadd.s32 s30, s3;
	s13 =	smax.u32 s13, $0x1;
	s11 =	sadd.s32 s5, s7  }
0xd: {  	s5 =	sadd.s32 $0xC600, s7;
	s12 =	sadd.s32 s8, s7;
	s7 =	sadd.s32 $0x4000, s6  }
0xe: {  	s8 =	sadd.s32 $0x8000, s6;
	s9 =	sadd.s32 $0xC000, s6;
	s10 =	sadd.s32 $0x10000, s6  }
0xf: {  	s18 =	sshrl.u32 s6, $0x3;
	s11 =	sadd.s32 $0x2600, s11;
	s12 =	sadd.s32 $0xCE00, s12  }
.LBB2_1:
0x10: {  	[tilespmem:s14], [sflag:$0x1] =	stream.linear.gather [hbm4b:s5+s4], $0x4000, $0x38;
	[tilespmem:$0x1A800] =	vst v63  }
0x11: {  	_ =	swait.ge [sflag:s15], $0x4000  }
0x12: {  	[sflag:s15] =	ssyncset.done $0x0  }
0x13: {  	[sflag:s15] =	ssyncadd.s32 $0xFFFFC000  }
0x14: {  	[spmem:s6] =	stream.linear.scatter [tilespmem:s14], [sflag:$0x1], $0x4000, $0x38;
	[tilespmem:$0x1A800] =	vst v63  }
0x15: {  	_ =	swait.ge [sflag:s15], $0x4000  }
0x16: {  	[sflag:s15] =	ssyncset.done $0x0  }
0x17: {  	[sflag:s15] =	ssyncadd.s32 $0xFFFFC000  }
0x18: {  	[spmem:s7] =	stream.linear.scatter [tilespmem:s14], [sflag:$0x1], $0x4000, $0x38;
	[tilespmem:$0x1A800] =	vst v63  }
0x19: {  	_ =	swait.ge [sflag:s15], $0x4000  }
0x1a: {  	[sflag:s15] =	ssyncset.done $0x0  }
0x1b: {  	[sflag:s15] =	ssyncadd.s32 $0xFFFFC000  }
0x1c: {  	[spmem:s8] =	stream.linear.scatter [tilespmem:s14], [sflag:$0x1], $0x4000, $0x38;
	[tilespmem:$0x1A800] =	vst v63  }
0x1d: {  	_ =	swait.ge [sflag:s15], $0x4000  }
0x1e: {  	[sflag:s15] =	ssyncset.done $0x0  }
0x1f: {  	[sflag:s15] =	ssyncadd.s32 $0xFFFFC000  }
0x20: {  	[spmem:s9] =	stream.linear.scatter [tilespmem:s14], [sflag:$0x1], $0x4000, $0x38;
	[tilespmem:$0x1A800] =	vst v63  }
0x21: {  	_ =	swait.ge [sflag:s15], $0x4000  }
0x22: {  	[sflag:s15] =	ssyncset.done $0x0  }
0x23: {  	[sflag:s15] =	ssyncadd.s32 $0xFFFFC000  }
0x24: {  	[spmem:s10] =	stream.linear.scatter [tilespmem:s14], [sflag:$0x1], $0x4000, $0x38;
	[tilespmem:$0x1A800] =	vst v63  }
0x25: {  	_ =	swait.ge [sflag:s15], $0x4000  }
0x26: {  	[sflag:s15] =	ssyncset.done $0x0  }
0x27: {  	[sflag:s15] =	ssyncadd.s32 $0xFFFFC000  }
0x28: {  	[bflag:$0x0] =	sbarrier.arrive $0xFFFF  }
0x29: {  	[tilespmem:s4], [sflag:$0x1] =	stream.linear.gather [hbm4b:s11+s4], $0x2800, $0x38;
	[tilespmem:$0x1A800] =	vst v63  }
0x2a: {  	_ =	swait.ge [sflag:s15], $0x2800  }
0x2b: {  	[sflag:s15] =	ssyncset.done $0x0  }
0x2c: {  	[sflag:s15] =	ssyncadd.s32 $0xFFFFD800  }
0x2d: {  	[tilespmem:s14], [sflag:$0x1] =	stream.linear.gather [hbm4b:s2+s4], $0x4000, $0x38;
	[tilespmem:$0x1A800] =	vst v63  }
0x2e: {  	_ =	swait.ge [sflag:s15], $0x4000  }
0x2f: {  	[sflag:s15] =	ssyncset.done $0x0  }
0x30: {  	s20 =	simm.s32 $0x0;
	[sflag:s15] =	ssyncadd.s32 $0xFFFFC000  }
0x31: {  	[spmem:s3] =	stream.indirect.scatter.add.f32 [tilespmem:s14], [sflag:$0x1], $0x80, s20, s16, $0xb8;
	[tilespmem:$0x1A800] =	vst v63  }
0x32: {  	_ =	swait.ge [sflag:s15], $0x4000  }
0x33: {  	s20 =	simm.s32 $0x200;
	[sflag:s15] =	ssyncset.done $0x0  }
.LBB2_2:
0x34: {  	s21 =	sshra.s32 s20, $0x2;
	[sflag:s15] =	ssyncadd.s32 $0xFFFFC000;
	p0 =	sne.s32 s20, $0x9E00  }
0x35: {  	[spmem:s3] =	stream.indirect.scatter.add.f32 [tilespmem:s14], [sflag:$0x1], $0x80, s21, s16, $0xb8;
	[tilespmem:$0x1A800] =	vst v63  }
.Ltmp0:
0x36: {  	_ = 	snop;
	(pc) =	sbr.rel @p0 .LBB2_2-.Ltmp0, $4  }
0x37: {  	_ = 	snop  }
0x38: {  	s20 =	sadd.s32 $0x200, s20  }
0x39: {  	_ =	swait.ge [sflag:s15], $0x4000  }
0x3a: {  	[sflag:s15] =	ssyncset.done $0x0  }
0x3b: {  	s19 =	sadd.s32 $0x1, s19  }
0x3c: {  	[sflag:s15] =	ssyncadd.s32 $0xFFFFC000;
	p0 =	sne.s32 s19, s13  }
.Ltmp1:
0x3d: {  	[bflag:$0x0] =	sbarrier.arrive $0xFFFF;
	(pc) =	sbr.rel @p0 .LBB2_1-.Ltmp1, $4  }
0x3e: {  	[hbm:s12], [sflag:s17] =	dma.local [spmem:s18], $0x2800  }
0x3f: {  	_ =	swait.ge [sflag:s15], $0x2800  }
0x40: {  	[sflag:s15] =	ssyncset.done $0x0  }
0x41: {  	[sflag:s15] =	ssyncadd.s32 $0xFFFFD800  }
0x42: {  	_ =	sfence.sel $0x180000  }
0x43: {  	[bflag:$0x0] =	sbarrier.arrive $0xFFFF  }
0x44: {  	p0 =	sne.s32 s0, $0x0;
	_ =	strace $0x90000047  }
0x45: {  	s0 =	sadd.s32 @!p0 $0x100000, s1;
	[bflag:$0x2] =	sbarrier.arrive $0xFFFF  }
0x46: {  	[sflag:s0] =	ssyncadd.tile.s32 @!p0 $0x1;
	_ =	shalt  }
.Lfunc_end2:
_tile_overlayer_lowered:
.L_overlay_start_2:
0x47: {  	(tag) =	ssettag $0x2  }
0x48: {  	s0 =	rddreg [dreg:$0x0];
	s2 =	stileid.u32  }
0x49: {  	s1 =	rddreg [dreg:$0x1];
	p0 =	sne.s32 s2, $0x0  }
0x4a: {  	s3 =	rddreg [dreg:$0x2];
	[bflag:$0x3] =	sbarrier.arrive $0xFFFF;
	s2 =	simm.s32 @!p0 $0x1C01  }
0x4b: {  	[timem:s3], [sflag:s2] =	dma.local @!p0 [hbm:s0], s1  }
0x4c: {  	s0 =	simm.s32 @!p0 $0x1  }
0x4d: {  	_ =	swait.ge @!p0 [sflag:s0], s1  }
0x4e: {  	s1 =	ssub.s32 @!p0 $0x0, s1;
	[sflag:s0] =	ssyncset.done @!p0 $0x0  }
0x4f: {  	[sflag:s0] =	ssyncadd.s32 @!p0 s1  }
0x50: {  	[bflag:$0x3] =	sbarrier.arrive $0xFFFF  }
0x51: {  	_ =	shalt  }

</sc_bundles>
